<compile_context>
chip_gen: v7x
topology: tpu7x:2x2x1
jax: 0.10.2.dev20260603
libtpu: 0.0.44.dev20260713+nightly
codegen_flags: <defaults>
</compile_context>

<pallas_src>
import functools

import jax
import jax.numpy as jnp
from jax import lax
from jax.experimental import pallas as pl
from jax.experimental.pallas import tpu as pltpu
from jax.experimental.pallas import tpu_sc as plsc

VOCAB = 1000
HIDDEN = 128
B = 1024
L = 50
NC = 2
NS = 16
NW = NC * NS
TOKENS = B * L
TOK_PER_W = TOKENS // NW
B_PER_W = B // NW


def _fuse_r8_kernel(emb_ref, rw_ref, rb_ref, r8_ref):
    r = (
        jnp.dot(emb_ref[...], rw_ref[...], preferred_element_type=jnp.float32)
        + rb_ref[...]
    )
    r8_ref[...] = jnp.broadcast_to(r, (VOCAB, 16))


def _fuse_r8(embed_table, reg_w, reg_b):
    return pl.pallas_call(
        _fuse_r8_kernel,
        out_shape=jax.ShapeDtypeStruct((VOCAB, 16), jnp.float32),
    )(embed_table, reg_w, reg_b.reshape(1, 1))


TB = 8
NT = B // TB


def _logits_kernel(ids_ref, emb_ref, pw_ref, pb_ref, out_ref):
    ids = ids_ref[...][:, :, None]
    v = lax.broadcasted_iota(jnp.int32, (TB, L, VOCAB), 2)
    oh = (ids == v).astype(jnp.float32)
    hid = lax.dot_general(
        oh, emb_ref[...], (((2,), (0,)), ((), ())),
        preferred_element_type=jnp.float32)
    out_ref[...] = lax.dot_general(
        hid, pw_ref[...], (((2,), (0,)), ((), ())),
        preferred_element_type=jnp.float32) + pb_ref[...]


def _logits(ids2, embed_table, proj_w, proj_b3):
    return pl.pallas_call(
        _logits_kernel,
        grid=(NT,),
        in_specs=[
            pl.BlockSpec((TB, L), lambda i: (i, 0)),
            pl.BlockSpec((VOCAB, HIDDEN), lambda i: (0, 0)),
            pl.BlockSpec((HIDDEN, VOCAB), lambda i: (0, 0)),
            pl.BlockSpec((1, 1, VOCAB), lambda i: (0, 0, 0)),
        ],
        out_specs=pl.BlockSpec((TB, L, VOCAB), lambda i: (i, 0, 0)),
        out_shape=jax.ShapeDtypeStruct((B, L, VOCAB), jnp.float32),
    )(ids2, embed_table, proj_w, proj_b3)


CB = 8
CTOK = CB * L
NCH = B_PER_W // CB


def _sc_pred_body(r8_hbm, ids_hbm, pred_hbm,
                  idx_v, buf_v, pred_v, acc_s, gsem0, gsem1):
    wid = lax.axis_index("c") * NS + lax.axis_index("s")
    tok0 = wid * TOK_PER_W
    gsems = (gsem0, gsem1)

    pltpu.sync_copy(ids_hbm.at[pl.ds(tok0, TOK_PER_W)], idx_v)

    def idx_slice(c):
        return idx_v.at[pl.ds(c * CTOK, CTOK)]

    def gather(c, par):
        pltpu.async_copy(r8_hbm.at[idx_slice(c)], buf_v.at[par], gsems[par])

    gather(0, 0)

    def pair_step(g, carry):
        del carry
        for par in (0, 1):
            c = g * 2 + par

            @pl.when(c + 1 < NCH)
            def _():
                gather(c + 1, 1 - par)

            pltpu.make_async_copy(
                r8_hbm.at[idx_slice(c)], buf_v.at[par], gsems[par]).wait()

            for bb in range(CB):
                def tok_step(i, acc, bb=bb):
                    return acc + buf_v[par, bb * L + i, :]

                acc = lax.fori_loop(0, L, tok_step,
                                    jnp.zeros((16,), jnp.float32))
                acc_s[c * CB + bb] = acc[0] * jnp.float32(1.0 / L)
        return 0

    lax.fori_loop(0, NCH // 2, pair_step, 0)

    lane = lax.iota(jnp.int32, 16)
    for k in (0, 1):
        acc = jnp.zeros((16,), jnp.float32)
        for i in range(16):
            v = acc_s[k * 16 + i]
            acc = jnp.where(lane == i, jnp.broadcast_to(v, (16,)), acc)
        pred_v[pl.ds(k * 16, 16)] = acc
    pltpu.sync_copy(pred_v, pred_hbm.at[pl.ds(wid * B_PER_W, B_PER_W)])


@functools.partial(
    pl.kernel,
    mesh=plsc.VectorSubcoreMesh(core_axis_name="c", subcore_axis_name="s"),
    compiler_params=pltpu.CompilerParams(use_tc_tiling_on_sc=False),
    out_type=jax.ShapeDtypeStruct((B,), jnp.float32),
    scratch_types=[
        pltpu.VMEM((TOK_PER_W,), jnp.int32),
        pltpu.VMEM((2, CTOK, 16), jnp.float32),
        pltpu.VMEM((B_PER_W,), jnp.float32),
        pltpu.SMEM((B_PER_W,), jnp.float32),
        pltpu.SemaphoreType.DMA,
        pltpu.SemaphoreType.DMA,
    ],
)
def _sc_pred(r8_hbm, ids_hbm, pred_hbm,
             idx_v, buf_v, pred_v, acc_s, gsem0, gsem1):
    _sc_pred_body(r8_hbm, ids_hbm, pred_hbm,
                  idx_v, buf_v, pred_v, acc_s, gsem0, gsem1)


def kernel(input_ids, embed_table, proj_w, proj_b, reg_w, reg_b):
    ids2 = input_ids.astype(jnp.int32)
    r8 = _fuse_r8(embed_table, reg_w, reg_b)
    pred = _sc_pred(r8, ids2.reshape(TOKENS))
    logits = _logits(ids2, embed_table, proj_w,
                     proj_b.reshape(1, 1, VOCAB))
    return logits, pred.reshape(B, 1)

# --- scband reference (transcript-rebuilt; emitter-appended) ---
"""Pipeline reference for scband-dummy-boltz-model-86638080295111 (READ-ONLY COPY).

The authoritative reference and input builder live on the scoring server;
editing this copy changes nothing except your own understanding.
"""

import jax, jax.numpy as jnp
import numpy as np

VOCAB = 1000
HIDDEN = 128
B = 1024
L = 50


def setup_inputs(seed: int = 0) -> dict:
    key = jax.random.key(seed)
    k_ids, k_emb, k_pw, k_pb, k_rw, k_rb = jax.random.split(key, 6)
    input_ids = jax.random.randint(k_ids, (B, L), 0, VOCAB, dtype=jnp.int64 if jax.config.jax_enable_x64 else jnp.int32)
    embed_table = jax.random.normal(k_emb, (VOCAB, HIDDEN), dtype=jnp.float32)
    # nn.Linear(hidden_dim, vocab_size): weight [vocab, hidden], stored transposed for matmul
    proj_w = jax.random.normal(k_pw, (HIDDEN, VOCAB), dtype=jnp.float32) * (1.0 / np.sqrt(HIDDEN))
    proj_b = jax.random.normal(k_pb, (VOCAB,), dtype=jnp.float32) * 0.01
    reg_w = jax.random.normal(k_rw, (HIDDEN, 1), dtype=jnp.float32) * (1.0 / np.sqrt(HIDDEN))
    reg_b = jax.random.normal(k_rb, (1,), dtype=jnp.float32) * 0.01
    return {
        "input_ids": input_ids,
        "embed_table": embed_table,
        "proj_w": proj_w,
        "proj_b": proj_b,
        "reg_w": reg_w,
        "reg_b": reg_b,
    }


def reference(input_ids, embed_table, proj_w, proj_b, reg_w, reg_b):
    # hidden = self.embed(input_ids)
    hidden = jnp.take(embed_table, input_ids, axis=0)          # [B, L, H]
    # logits = self.proj(hidden)
    logits = hidden @ proj_w + proj_b                           # [B, L, V]
    # pooled = hidden.mean(dim=1)
    pooled = hidden.mean(axis=1)                                # [B, H]
    # regression = self.reg_head(pooled)
    pred = pooled @ reg_w + reg_b                               # [B, 1]
    return (logits, pred)


if False:  # reference __main__ guard neutralized (emitter)
    inp = setup_inputs()
    logits, pred = reference(**inp)
    print(logits.shape, pred.shape)

if __name__ == "__main__":
    import jax
    _d = setup_inputs()
    print(jax.jit(kernel)(*tuple(_d.values())))

</pallas_src>

<mosaic_0001>
#map = affine_map<(d0, d1) -> (0, 0)>
#map1 = affine_map<(d0, d1) -> (0)>
module attributes {stable_mosaic.version = 14 : i64} {
  func.func @_sc_pred(%arg0: i32, %arg1: i32, %arg2: memref<1000x16xf32, #tpu.memory_space<hbm>>, %arg3: memref<51200xi32, #tpu.memory_space<hbm>>, %arg4: memref<1024xf32, #tpu.memory_space<hbm>>, %arg5: memref<1600xi32, #tpu.memory_space<vmem>>, %arg6: memref<2x400x16xf32, #tpu.memory_space<vmem>>, %arg7: memref<32xf32, #tpu.memory_space<vmem>>, %arg8: memref<32xf32, #tpu.memory_space<smem>>, %arg9: memref<!tpu.dma_semaphore, #tpu.memory_space<semaphore_mem>>, %arg10: memref<!tpu.dma_semaphore, #tpu.memory_space<semaphore_mem>>) attributes {dimension_semantics = [#tpu.dimension_semantics<core_parallel>, #tpu.dimension_semantics<subcore_parallel>], iteration_bounds = array<i64: 2, 16>, scalar_prefetch = 0 : i64, scratch_operands = 6 : i64, tpu.core_type = #tpu.core_type<sc_vector_subcore>, window_params = [{transform_indices = #map}, {transform_indices = #map1}, {transform_indices = #map1}]} {
    %mul3A = arith.constant 16 : i32
    %mul3A_0 = arith.muli %arg0, %mul3A : i32
    %add3A = arith.addi %mul3A_0, %arg1 : i32
    %mul3A_1 = arith.constant 1600 : i32
    %mul3A_2 = arith.muli %add3A, %mul3A_1 : i32
    "tpu.region"() ({
      %run_scoped3A = tpu.sem_alloc : memref<!tpu.dma_semaphore, #tpu.memory_space<semaphore_mem>>
      %dma_start3A_283 = tpu.memref_slice %arg3[%mul3A_2] : memref<51200xi32, #tpu.memory_space<hbm>> -> memref<1600xi32, #tpu.memory_space<hbm>>
      %dma_start3A_284 = tpu.memref_slice %arg3[%mul3A_2] : memref<51200xi32, #tpu.memory_space<hbm>> -> memref<1600xi32, #tpu.memory_space<hbm>>
      tpu.enqueue_dma source(%dma_start3A_284 : memref<1600xi32, #tpu.memory_space<hbm>>) target(%arg5 : memref<1600xi32, #tpu.memory_space<vmem>>) target_semaphore(%run_scoped3A : memref<!tpu.dma_semaphore, #tpu.memory_space<semaphore_mem>>)
      %dma_wait3A = tpu.memref_slice %arg3[%mul3A_2] : memref<51200xi32, #tpu.memory_space<hbm>> -> memref<1600xi32, #tpu.memory_space<hbm>>
      %dma_wait3A_285 = tpu.memref_slice %arg3[%mul3A_2] : memref<51200xi32, #tpu.memory_space<hbm>> -> memref<1600xi32, #tpu.memory_space<hbm>>
      tpu.wait_dma2 semaphore(%run_scoped3A : memref<!tpu.dma_semaphore, #tpu.memory_space<semaphore_mem>>) src(%dma_wait3A_285 : memref<1600xi32, #tpu.memory_space<hbm>>) dst(%arg5 : memref<1600xi32, #tpu.memory_space<vmem>>)
      tpu.yield
    }) : () -> ()
    %dma_start3A = arith.constant 0 : i32
    %dma_start3A_3 = arith.constant 0 : i32
    %dma_start3A_4 = arith.constant 0 : i32
    %dma_start3A_5 = tpu.memref_slice %arg6[%dma_start3A, %dma_start3A_3, %dma_start3A_4] : memref<2x400x16xf32, #tpu.memory_space<vmem>> -> memref<1x400x16xf32, #tpu.memory_space<vmem>>
    %dma_start3A_6 = tpu.memref_squeeze %dma_start3A_5 : memref<1x400x16xf32, #tpu.memory_space<vmem>> -> memref<400x16xf32, #tpu.memory_space<vmem>>
    %dma_start3A_7 = arith.constant 0 : i32
    %dma_start3A_8 = tpu.memref_slice %arg5[%dma_start3A_7] : memref<1600xi32, #tpu.memory_space<vmem>> -> memref<400xi32, #tpu.memory_space<vmem>>
    %dma_start3A_9 = arith.constant 0 : i32
    %dma_start3A_10 = arith.constant 0 : i32
    %dma_start3A_11 = tpu.memref_slice %arg2[%dma_start3A_9, %dma_start3A_10] : memref<1000x16xf32, #tpu.memory_space<hbm>> -> memref<1000x16xf32, #tpu.memory_space<hbm>>
    tpu.enqueue_indirect_dma source(%dma_start3A_11 : memref<1000x16xf32, #tpu.memory_space<hbm>>) target(%dma_start3A_6 : memref<400x16xf32, #tpu.memory_space<vmem>>) offsets(%dma_start3A_8 : memref<400xi32, #tpu.memory_space<vmem>>) semaphore(%arg9 : memref<!tpu.dma_semaphore, #tpu.memory_space<semaphore_mem>>)
    %scan3A = arith.constant 0 : i32
    %scan3A_12 = arith.constant 0 : i32
    %scan3A_13 = arith.constant 2 : i32
    %scan3A_14 = arith.addi %scan3A_12, %scan3A_13 : i32
    %scan3A_15 = arith.constant 1 : i32
    %scan3A_16 = scf.for %scan3A_283 = %scan3A_12 to %scan3A_14 step %scan3A_15 iter_args(%scan3A_284 = %scan3A) -> (i32)  : i32 {
      %mul3A_285 = arith.constant 2 : i32
      %mul3A_286 = arith.muli %scan3A_283, %mul3A_285 : i32
      %add3A_287 = arith.constant 0 : i32
      %add3A_288 = arith.addi %mul3A_286, %add3A_287 : i32
      %add3A_289 = arith.constant 1 : i32
      %add3A_290 = arith.addi %add3A_288, %add3A_289 : i32
      %lt3A = arith.constant 4 : i32
      %lt3A_291 = arith.cmpi slt, %add3A_290, %lt3A : i32
      %convert_element_type3A = arith.extui %lt3A_291 : i1 to i32
      %cond3A = arith.constant 0 : i32
      %cond3A_292 = arith.cmpi ne, %convert_element_type3A, %cond3A : i32
      scf.if %cond3A_292 {
        %add3A_612 = arith.constant 1 : i32
        %add3A_613 = arith.addi %add3A_288, %add3A_612 : i32
        %mul3A_614 = arith.constant 400 : i32
        %mul3A_615 = arith.muli %add3A_613, %mul3A_614 : i32
        %dma_start3A_616 = arith.constant 1 : i32
        %dma_start3A_617 = arith.constant 0 : i32
        %dma_start3A_618 = arith.constant 0 : i32
        %dma_start3A_619 = tpu.memref_slice %arg6[%dma_start3A_616, %dma_start3A_617, %dma_start3A_618] : memref<2x400x16xf32, #tpu.memory_space<vmem>> -> memref<1x400x16xf32, #tpu.memory_space<vmem>>
        %dma_start3A_620 = tpu.memref_squeeze %dma_start3A_619 : memref<1x400x16xf32, #tpu.memory_space<vmem>> -> memref<400x16xf32, #tpu.memory_space<vmem>>
        %dma_start3A_621 = tpu.memref_slice %arg5[%mul3A_615] : memref<1600xi32, #tpu.memory_space<vmem>> -> memref<400xi32, #tpu.memory_space<vmem>>
        %dma_start3A_622 = arith.constant 0 : i32
        %dma_start3A_623 = arith.constant 0 : i32
        %dma_start3A_624 = tpu.memref_slice %arg2[%dma_start3A_622, %dma_start3A_623] : memref<1000x16xf32, #tpu.memory_space<hbm>> -> memref<1000x16xf32, #tpu.memory_space<hbm>>
        tpu.enqueue_indirect_dma source(%dma_start3A_624 : memref<1000x16xf32, #tpu.memory_space<hbm>>) target(%dma_start3A_620 : memref<400x16xf32, #tpu.memory_space<vmem>>) offsets(%dma_start3A_621 : memref<400xi32, #tpu.memory_space<vmem>>) semaphore(%arg10 : memref<!tpu.dma_semaphore, #tpu.memory_space<semaphore_mem>>)
      } else {
      }
      %mul3A_293 = arith.constant 400 : i32
      %mul3A_294 = arith.muli %add3A_288, %mul3A_293 : i32
      %dma_wait3A = arith.constant 0 : i32
      %dma_wait3A_295 = arith.constant 0 : i32
      %dma_wait3A_296 = arith.constant 0 : i32
      %dma_wait3A_297 = tpu.memref_slice %arg6[%dma_wait3A, %dma_wait3A_295, %dma_wait3A_296] : memref<2x400x16xf32, #tpu.memory_space<vmem>> -> memref<1x400x16xf32, #tpu.memory_space<vmem>>
      %dma_wait3A_298 = tpu.memref_squeeze %dma_wait3A_297 : memref<1x400x16xf32, #tpu.memory_space<vmem>> -> memref<400x16xf32, #tpu.memory_space<vmem>>
      %dma_wait3A_299 = tpu.memref_slice %arg5[%mul3A_294] : memref<1600xi32, #tpu.memory_space<vmem>> -> memref<400xi32, #tpu.memory_space<vmem>>
      %dma_wait3A_300 = arith.constant 0 : i32
      %dma_wait3A_301 = arith.constant 0 : i32
      %dma_wait3A_302 = tpu.memref_slice %arg2[%dma_wait3A_300, %dma_wait3A_301] : memref<1000x16xf32, #tpu.memory_space<hbm>> -> memref<1000x16xf32, #tpu.memory_space<hbm>>
      tpu.wait_indirect_dma semaphore(%arg9 : memref<!tpu.dma_semaphore, #tpu.memory_space<semaphore_mem>>) src(%dma_wait3A_302 : memref<1000x16xf32, #tpu.memory_space<hbm>>) dst(%dma_wait3A_298 : memref<400x16xf32, #tpu.memory_space<vmem>>)
      %broadcast_in_dim3A_303 = arith.constant 0.000000e+00 : f32
      %broadcast_in_dim3A_304 = vector.broadcast %broadcast_in_dim3A_303 : f32 to vector<16xf32>
      %scan3A_305 = arith.constant 0 : i32
      %scan3A_306 = arith.constant 50 : i32
      %scan3A_307 = arith.addi %scan3A_305, %scan3A_306 : i32
      %scan3A_308 = arith.constant 1 : i32
      %scan3A_309 = scf.for %scan3A_612 = %scan3A_305 to %scan3A_307 step %scan3A_308 iter_args(%scan3A_613 = %broadcast_in_dim3A_304) -> (vector<16xf32>)  : i32 {
        %add3A_614 = arith.constant 0 : i32
        %add3A_615 = arith.addi %add3A_614, %scan3A_612 : i32
        %get3A_616 = arith.constant 0 : i32
        %get3A_617 = arith.index_cast %get3A_616 : i32 to index
        %get3A_618 = arith.index_cast %add3A_615 : i32 to index
        %get3A_619 = arith.constant 0 : index
        %get3A_620 = tpu.vector_load %arg6[%get3A_617, %get3A_618, %get3A_619] {strides = array<i32>} : memref<2x400x16xf32, #tpu.memory_space<vmem>>, vector<1x1x16xf32>,
        %get3A_621 = vector.shape_cast %get3A_620 : vector<1x1x16xf32> to vector<16xf32>
        %add3A_622 = arith.addf %scan3A_613, %get3A_621 : vector<16xf32>
        scf.yield %add3A_622 : vector<16xf32>
      }
      %scan3A_310 = arith.constant 50 : i32
      %slice3A = vector.extract_strided_slice %scan3A_309 {offsets = [0], sizes = [1], strides = [1]} : vector<16xf32> to vector<1xf32>
      %squeeze3A = vector.extract %slice3A[0] : f32 from vector<1xf32>
      %mul3A_311 = arith.constant 2.000000e-02 : f32
      %mul3A_312 = arith.mulf %squeeze3A, %mul3A_311 : f32
      %mul3A_313 = arith.constant 8 : i32
      %mul3A_314 = arith.muli %add3A_288, %mul3A_313 : i32
      %add3A_315 = arith.constant 0 : i32
      %add3A_316 = arith.addi %mul3A_314, %add3A_315 : i32
      %swap3A_317 = arith.index_cast %add3A_316 : i32 to index
      %swap3A_318 = memref.load %arg8[%swap3A_317] : memref<32xf32, #tpu.memory_space<smem>>
      memref.store %mul3A_312, %arg8[%swap3A_317] : memref<32xf32, #tpu.memory_space<smem>>
      %broadcast_in_dim3A_319 = arith.constant 0.000000e+00 : f32
      %broadcast_in_dim3A_320 = vector.broadcast %broadcast_in_dim3A_319 : f32 to vector<16xf32>
      %scan3A_321 = arith.constant 0 : i32
      %scan3A_322 = arith.constant 50 : i32
      %scan3A_323 = arith.addi %scan3A_321, %scan3A_322 : i32
      %scan3A_324 = arith.constant 1 : i32
      %scan3A_325 = scf.for %scan3A_612 = %scan3A_321 to %scan3A_323 step %scan3A_324 iter_args(%scan3A_613 = %broadcast_in_dim3A_320) -> (vector<16xf32>)  : i32 {
        %add3A_614 = arith.constant 50 : i32
        %add3A_615 = arith.addi %add3A_614, %scan3A_612 : i32
        %get3A_616 = arith.constant 0 : i32
        %get3A_617 = arith.index_cast %get3A_616 : i32 to index
        %get3A_618 = arith.index_cast %add3A_615 : i32 to index
        %get3A_619 = arith.constant 0 : index
        %get3A_620 = tpu.vector_load %arg6[%get3A_617, %get3A_618, %get3A_619] {strides = array<i32>} : memref<2x400x16xf32, #tpu.memory_space<vmem>>, vector<1x1x16xf32>,
        %get3A_621 = vector.shape_cast %get3A_620 : vector<1x1x16xf32> to vector<16xf32>
        %add3A_622 = arith.addf %scan3A_613, %get3A_621 : vector<16xf32>
        scf.yield %add3A_622 : vector<16xf32>
      }
      %scan3A_326 = arith.constant 50 : i32
      %slice3A_327 = vector.extract_strided_slice %scan3A_325 {offsets = [0], sizes = [1], strides = [1]} : vector<16xf32> to vector<1xf32>
      %squeeze3A_328 = vector.extract %slice3A_327[0] : f32 from vector<1xf32>
      %mul3A_329 = arith.constant 2.000000e-02 : f32
      %mul3A_330 = arith.mulf %squeeze3A_328, %mul3A_329 : f32
      %mul3A_331 = arith.constant 8 : i32
      %mul3A_332 = arith.muli %add3A_288, %mul3A_331 : i32
      %add3A_333 = arith.constant 1 : i32
      %add3A_334 = arith.addi %mul3A_332, %add3A_333 : i32
      %swap3A_335 = arith.index_cast %add3A_334 : i32 to index
      %swap3A_336 = memref.load %arg8[%swap3A_335] : memref<32xf32, #tpu.memory_space<smem>>
      memref.store %mul3A_330, %arg8[%swap3A_335] : memref<32xf32, #tpu.memory_space<smem>>
      %broadcast_in_dim3A_337 = arith.constant 0.000000e+00 : f32
      %broadcast_in_dim3A_338 = vector.broadcast %broadcast_in_dim3A_337 : f32 to vector<16xf32>
      %scan3A_339 = arith.constant 0 : i32
      %scan3A_340 = arith.constant 50 : i32
      %scan3A_341 = arith.addi %scan3A_339, %scan3A_340 : i32
      %scan3A_342 = arith.constant 1 : i32
      %scan3A_343 = scf.for %scan3A_612 = %scan3A_339 to %scan3A_341 step %scan3A_342 iter_args(%scan3A_613 = %broadcast_in_dim3A_338) -> (vector<16xf32>)  : i32 {
        %add3A_614 = arith.constant 100 : i32
        %add3A_615 = arith.addi %add3A_614, %scan3A_612 : i32
        %get3A_616 = arith.constant 0 : i32
        %get3A_617 = arith.index_cast %get3A_616 : i32 to index
        %get3A_618 = arith.index_cast %add3A_615 : i32 to index
        %get3A_619 = arith.constant 0 : index
        %get3A_620 = tpu.vector_load %arg6[%get3A_617, %get3A_618, %get3A_619] {strides = array<i32>} : memref<2x400x16xf32, #tpu.memory_space<vmem>>, vector<1x1x16xf32>,
        %get3A_621 = vector.shape_cast %get3A_620 : vector<1x1x16xf32> to vector<16xf32>
        %add3A_622 = arith.addf %scan3A_613, %get3A_621 : vector<16xf32>
        scf.yield %add3A_622 : vector<16xf32>
      }
      %scan3A_344 = arith.constant 50 : i32
      %slice3A_345 = vector.extract_strided_slice %scan3A_343 {offsets = [0], sizes = [1], strides = [1]} : vector<16xf32> to vector<1xf32>
      %squeeze3A_346 = vector.extract %slice3A_345[0] : f32 from vector<1xf32>
      %mul3A_347 = arith.constant 2.000000e-02 : f32
      %mul3A_348 = arith.mulf %squeeze3A_346, %mul3A_347 : f32
      %mul3A_349 = arith.constant 8 : i32
      %mul3A_350 = arith.muli %add3A_288, %mul3A_349 : i32
      %add3A_351 = arith.constant 2 : i32
      %add3A_352 = arith.addi %mul3A_350, %add3A_351 : i32
      %swap3A_353 = arith.index_cast %add3A_352 : i32 to index
      %swap3A_354 = memref.load %arg8[%swap3A_353] : memref<32xf32, #tpu.memory_space<smem>>
      memref.store %mul3A_348, %arg8[%swap3A_353] : memref<32xf32, #tpu.memory_space<smem>>
      %broadcast_in_dim3A_355 = arith.constant 0.000000e+00 : f32
      %broadcast_in_dim3A_356 = vector.broadcast %broadcast_in_dim3A_355 : f32 to vector<16xf32>
      %scan3A_357 = arith.constant 0 : i32
      %scan3A_358 = arith.constant 50 : i32
      %scan3A_359 = arith.addi %scan3A_357, %scan3A_358 : i32
      %scan3A_360 = arith.constant 1 : i32
      %scan3A_361 = scf.for %scan3A_612 = %scan3A_357 to %scan3A_359 step %scan3A_360 iter_args(%scan3A_613 = %broadcast_in_dim3A_356) -> (vector<16xf32>)  : i32 {
        %add3A_614 = arith.constant 150 : i32
        %add3A_615 = arith.addi %add3A_614, %scan3A_612 : i32
        %get3A_616 = arith.constant 0 : i32
        %get3A_617 = arith.index_cast %get3A_616 : i32 to index
        %get3A_618 = arith.index_cast %add3A_615 : i32 to index
        %get3A_619 = arith.constant 0 : index
        %get3A_620 = tpu.vector_load %arg6[%get3A_617, %get3A_618, %get3A_619] {strides = array<i32>} : memref<2x400x16xf32, #tpu.memory_space<vmem>>, vector<1x1x16xf32>,
        %get3A_621 = vector.shape_cast %get3A_620 : vector<1x1x16xf32> to vector<16xf32>
        %add3A_622 = arith.addf %scan3A_613, %get3A_621 : vector<16xf32>
        scf.yield %add3A_622 : vector<16xf32>
      }
      %scan3A_362 = arith.constant 50 : i32
      %slice3A_363 = vector.extract_strided_slice %scan3A_361 {offsets = [0], sizes = [1], strides = [1]} : vector<16xf32> to vector<1xf32>
      %squeeze3A_364 = vector.extract %slice3A_363[0] : f32 from vector<1xf32>
      %mul3A_365 = arith.constant 2.000000e-02 : f32
      %mul3A_366 = arith.mulf %squeeze3A_364, %mul3A_365 : f32
      %mul3A_367 = arith.constant 8 : i32
      %mul3A_368 = arith.muli %add3A_288, %mul3A_367 : i32
      %add3A_369 = arith.constant 3 : i32
      %add3A_370 = arith.addi %mul3A_368, %add3A_369 : i32
      %swap3A_371 = arith.index_cast %add3A_370 : i32 to index
      %swap3A_372 = memref.load %arg8[%swap3A_371] : memref<32xf32, #tpu.memory_space<smem>>
      memref.store %mul3A_366, %arg8[%swap3A_371] : memref<32xf32, #tpu.memory_space<smem>>
      %broadcast_in_dim3A_373 = arith.constant 0.000000e+00 : f32
      %broadcast_in_dim3A_374 = vector.broadcast %broadcast_in_dim3A_373 : f32 to vector<16xf32>
      %scan3A_375 = arith.constant 0 : i32
      %scan3A_376 = arith.constant 50 : i32
      %scan3A_377 = arith.addi %scan3A_375, %scan3A_376 : i32
      %scan3A_378 = arith.constant 1 : i32
      %scan3A_379 = scf.for %scan3A_612 = %scan3A_375 to %scan3A_377 step %scan3A_378 iter_args(%scan3A_613 = %broadcast_in_dim3A_374) -> (vector<16xf32>)  : i32 {
        %add3A_614 = arith.constant 200 : i32
        %add3A_615 = arith.addi %add3A_614, %scan3A_612 : i32
        %get3A_616 = arith.constant 0 : i32
        %get3A_617 = arith.index_cast %get3A_616 : i32 to index
        %get3A_618 = arith.index_cast %add3A_615 : i32 to index
        %get3A_619 = arith.constant 0 : index
        %get3A_620 = tpu.vector_load %arg6[%get3A_617, %get3A_618, %get3A_619] {strides = array<i32>} : memref<2x400x16xf32, #tpu.memory_space<vmem>>, vector<1x1x16xf32>,
        %get3A_621 = vector.shape_cast %get3A_620 : vector<1x1x16xf32> to vector<16xf32>
        %add3A_622 = arith.addf %scan3A_613, %get3A_621 : vector<16xf32>
        scf.yield %add3A_622 : vector<16xf32>
      }
      %scan3A_380 = arith.constant 50 : i32
      %slice3A_381 = vector.extract_strided_slice %scan3A_379 {offsets = [0], sizes = [1], strides = [1]} : vector<16xf32> to vector<1xf32>
      %squeeze3A_382 = vector.extract %slice3A_381[0] : f32 from vector<1xf32>
      %mul3A_383 = arith.constant 2.000000e-02 : f32
      %mul3A_384 = arith.mulf %squeeze3A_382, %mul3A_383 : f32
      %mul3A_385 = arith.constant 8 : i32
      %mul3A_386 = arith.muli %add3A_288, %mul3A_385 : i32
      %add3A_387 = arith.constant 4 : i32
      %add3A_388 = arith.addi %mul3A_386, %add3A_387 : i32
      %swap3A_389 = arith.index_cast %add3A_388 : i32 to index
      %swap3A_390 = memref.load %arg8[%swap3A_389] : memref<32xf32, #tpu.memory_space<smem>>
      memref.store %mul3A_384, %arg8[%swap3A_389] : memref<32xf32, #tpu.memory_space<smem>>
      %broadcast_in_dim3A_391 = arith.constant 0.000000e+00 : f32
      %broadcast_in_dim3A_392 = vector.broadcast %broadcast_in_dim3A_391 : f32 to vector<16xf32>
      %scan3A_393 = arith.constant 0 : i32
      %scan3A_394 = arith.constant 50 : i32
      %scan3A_395 = arith.addi %scan3A_393, %scan3A_394 : i32
      %scan3A_396 = arith.constant 1 : i32
      %scan3A_397 = scf.for %scan3A_612 = %scan3A_393 to %scan3A_395 step %scan3A_396 iter_args(%scan3A_613 = %broadcast_in_dim3A_392) -> (vector<16xf32>)  : i32 {
        %add3A_614 = arith.constant 250 : i32
        %add3A_615 = arith.addi %add3A_614, %scan3A_612 : i32
        %get3A_616 = arith.constant 0 : i32
        %get3A_617 = arith.index_cast %get3A_616 : i32 to index
        %get3A_618 = arith.index_cast %add3A_615 : i32 to index
        %get3A_619 = arith.constant 0 : index
        %get3A_620 = tpu.vector_load %arg6[%get3A_617, %get3A_618, %get3A_619] {strides = array<i32>} : memref<2x400x16xf32, #tpu.memory_space<vmem>>, vector<1x1x16xf32>,
        %get3A_621 = vector.shape_cast %get3A_620 : vector<1x1x16xf32> to vector<16xf32>
        %add3A_622 = arith.addf %scan3A_613, %get3A_621 : vector<16xf32>
        scf.yield %add3A_622 : vector<16xf32>
      }
      %scan3A_398 = arith.constant 50 : i32
      %slice3A_399 = vector.extract_strided_slice %scan3A_397 {offsets = [0], sizes = [1], strides = [1]} : vector<16xf32> to vector<1xf32>
      %squeeze3A_400 = vector.extract %slice3A_399[0] : f32 from vector<1xf32>
      %mul3A_401 = arith.constant 2.000000e-02 : f32
      %mul3A_402 = arith.mulf %squeeze3A_400, %mul3A_401 : f32
      %mul3A_403 = arith.constant 8 : i32
      %mul3A_404 = arith.muli %add3A_288, %mul3A_403 : i32
      %add3A_405 = arith.constant 5 : i32
      %add3A_406 = arith.addi %mul3A_404, %add3A_405 : i32
      %swap3A_407 = arith.index_cast %add3A_406 : i32 to index
      %swap3A_408 = memref.load %arg8[%swap3A_407] : memref<32xf32, #tpu.memory_space<smem>>
      memref.store %mul3A_402, %arg8[%swap3A_407] : memref<32xf32, #tpu.memory_space<smem>>
      %broadcast_in_dim3A_409 = arith.constant 0.000000e+00 : f32
      %broadcast_in_dim3A_410 = vector.broadcast %broadcast_in_dim3A_409 : f32 to vector<16xf32>
      %scan3A_411 = arith.constant 0 : i32
      %scan3A_412 = arith.constant 50 : i32
      %scan3A_413 = arith.addi %scan3A_411, %scan3A_412 : i32
      %scan3A_414 = arith.constant 1 : i32
      %scan3A_415 = scf.for %scan3A_612 = %scan3A_411 to %scan3A_413 step %scan3A_414 iter_args(%scan3A_613 = %broadcast_in_dim3A_410) -> (vector<16xf32>)  : i32 {
        %add3A_614 = arith.constant 300 : i32
        %add3A_615 = arith.addi %add3A_614, %scan3A_612 : i32
        %get3A_616 = arith.constant 0 : i32
        %get3A_617 = arith.index_cast %get3A_616 : i32 to index
        %get3A_618 = arith.index_cast %add3A_615 : i32 to index
        %get3A_619 = arith.constant 0 : index
        %get3A_620 = tpu.vector_load %arg6[%get3A_617, %get3A_618, %get3A_619] {strides = array<i32>} : memref<2x400x16xf32, #tpu.memory_space<vmem>>, vector<1x1x16xf32>,
        %get3A_621 = vector.shape_cast %get3A_620 : vector<1x1x16xf32> to vector<16xf32>
        %add3A_622 = arith.addf %scan3A_613, %get3A_621 : vector<16xf32>
        scf.yield %add3A_622 : vector<16xf32>
      }
      %scan3A_416 = arith.constant 50 : i32
      %slice3A_417 = vector.extract_strided_slice %scan3A_415 {offsets = [0], sizes = [1], strides = [1]} : vector<16xf32> to vector<1xf32>
      %squeeze3A_418 = vector.extract %slice3A_417[0] : f32 from vector<1xf32>
      %mul3A_419 = arith.constant 2.000000e-02 : f32
      %mul3A_420 = arith.mulf %squeeze3A_418, %mul3A_419 : f32
      %mul3A_421 = arith.constant 8 : i32
      %mul3A_422 = arith.muli %add3A_288, %mul3A_421 : i32
      %add3A_423 = arith.constant 6 : i32
      %add3A_424 = arith.addi %mul3A_422, %add3A_423 : i32
      %swap3A_425 = arith.index_cast %add3A_424 : i32 to index
      %swap3A_426 = memref.load %arg8[%swap3A_425] : memref<32xf32, #tpu.memory_space<smem>>
      memref.store %mul3A_420, %arg8[%swap3A_425] : memref<32xf32, #tpu.memory_space<smem>>
      %broadcast_in_dim3A_427 = arith.constant 0.000000e+00 : f32
      %broadcast_in_dim3A_428 = vector.broadcast %broadcast_in_dim3A_427 : f32 to vector<16xf32>
      %scan3A_429 = arith.constant 0 : i32
      %scan3A_430 = arith.constant 50 : i32
      %scan3A_431 = arith.addi %scan3A_429, %scan3A_430 : i32
      %scan3A_432 = arith.constant 1 : i32
      %scan3A_433 = scf.for %scan3A_612 = %scan3A_429 to %scan3A_431 step %scan3A_432 iter_args(%scan3A_613 = %broadcast_in_dim3A_428) -> (vector<16xf32>)  : i32 {
        %add3A_614 = arith.constant 350 : i32
        %add3A_615 = arith.addi %add3A_614, %scan3A_612 : i32
        %get3A_616 = arith.constant 0 : i32
        %get3A_617 = arith.index_cast %get3A_616 : i32 to index
        %get3A_618 = arith.index_cast %add3A_615 : i32 to index
        %get3A_619 = arith.constant 0 : index
        %get3A_620 = tpu.vector_load %arg6[%get3A_617, %get3A_618, %get3A_619] {strides = array<i32>} : memref<2x400x16xf32, #tpu.memory_space<vmem>>, vector<1x1x16xf32>,
        %get3A_621 = vector.shape_cast %get3A_620 : vector<1x1x16xf32> to vector<16xf32>
        %add3A_622 = arith.addf %scan3A_613, %get3A_621 : vector<16xf32>
        scf.yield %add3A_622 : vector<16xf32>
      }
      %scan3A_434 = arith.constant 50 : i32
      %slice3A_435 = vector.extract_strided_slice %scan3A_433 {offsets = [0], sizes = [1], strides = [1]} : vector<16xf32> to vector<1xf32>
      %squeeze3A_436 = vector.extract %slice3A_435[0] : f32 from vector<1xf32>
      %mul3A_437 = arith.constant 2.000000e-02 : f32
      %mul3A_438 = arith.mulf %squeeze3A_436, %mul3A_437 : f32
      %mul3A_439 = arith.constant 8 : i32
      %mul3A_440 = arith.muli %add3A_288, %mul3A_439 : i32
      %add3A_441 = arith.constant 7 : i32
      %add3A_442 = arith.addi %mul3A_440, %add3A_441 : i32
      %swap3A_443 = arith.index_cast %add3A_442 : i32 to index
      %swap3A_444 = memref.load %arg8[%swap3A_443] : memref<32xf32, #tpu.memory_space<smem>>
      memref.store %mul3A_438, %arg8[%swap3A_443] : memref<32xf32, #tpu.memory_space<smem>>
      %mul3A_445 = arith.constant 2 : i32
      %mul3A_446 = arith.muli %scan3A_283, %mul3A_445 : i32
      %add3A_447 = arith.constant 1 : i32
      %add3A_448 = arith.addi %mul3A_446, %add3A_447 : i32
      %add3A_449 = arith.constant 1 : i32
      %add3A_450 = arith.addi %add3A_448, %add3A_449 : i32
      %lt3A_451 = arith.constant 4 : i32
      %lt3A_452 = arith.cmpi slt, %add3A_450, %lt3A_451 : i32
      %convert_element_type3A_453 = arith.extui %lt3A_452 : i1 to i32
      %cond3A_454 = arith.constant 0 : i32
      %cond3A_455 = arith.cmpi ne, %convert_element_type3A_453, %cond3A_454 : i32
      scf.if %cond3A_455 {
        %add3A_612 = arith.constant 1 : i32
        %add3A_613 = arith.addi %add3A_448, %add3A_612 : i32
        %mul3A_614 = arith.constant 400 : i32
        %mul3A_615 = arith.muli %add3A_613, %mul3A_614 : i32
        %dma_start3A_616 = arith.constant 0 : i32
        %dma_start3A_617 = arith.constant 0 : i32
        %dma_start3A_618 = arith.constant 0 : i32
        %dma_start3A_619 = tpu.memref_slice %arg6[%dma_start3A_616, %dma_start3A_617, %dma_start3A_618] : memref<2x400x16xf32, #tpu.memory_space<vmem>> -> memref<1x400x16xf32, #tpu.memory_space<vmem>>
        %dma_start3A_620 = tpu.memref_squeeze %dma_start3A_619 : memref<1x400x16xf32, #tpu.memory_space<vmem>> -> memref<400x16xf32, #tpu.memory_space<vmem>>
        %dma_start3A_621 = tpu.memref_slice %arg5[%mul3A_615] : memref<1600xi32, #tpu.memory_space<vmem>> -> memref<400xi32, #tpu.memory_space<vmem>>
        %dma_start3A_622 = arith.constant 0 : i32
        %dma_start3A_623 = arith.constant 0 : i32
        %dma_start3A_624 = tpu.memref_slice %arg2[%dma_start3A_622, %dma_start3A_623] : memref<1000x16xf32, #tpu.memory_space<hbm>> -> memref<1000x16xf32, #tpu.memory_space<hbm>>
        tpu.enqueue_indirect_dma source(%dma_start3A_624 : memref<1000x16xf32, #tpu.memory_space<hbm>>) target(%dma_start3A_620 : memref<400x16xf32, #tpu.memory_space<vmem>>) offsets(%dma_start3A_621 : memref<400xi32, #tpu.memory_space<vmem>>) semaphore(%arg9 : memref<!tpu.dma_semaphore, #tpu.memory_space<semaphore_mem>>)
      } else {
      }
      %mul3A_456 = arith.constant 400 : i32
      %mul3A_457 = arith.muli %add3A_448, %mul3A_456 : i32
      %dma_wait3A_458 = arith.constant 1 : i32
      %dma_wait3A_459 = arith.constant 0 : i32
      %dma_wait3A_460 = arith.constant 0 : i32
      %dma_wait3A_461 = tpu.memref_slice %arg6[%dma_wait3A_458, %dma_wait3A_459, %dma_wait3A_460] : memref<2x400x16xf32, #tpu.memory_space<vmem>> -> memref<1x400x16xf32, #tpu.memory_space<vmem>>
      %dma_wait3A_462 = tpu.memref_squeeze %dma_wait3A_461 : memref<1x400x16xf32, #tpu.memory_space<vmem>> -> memref<400x16xf32, #tpu.memory_space<vmem>>
      %dma_wait3A_463 = tpu.memref_slice %arg5[%mul3A_457] : memref<1600xi32, #tpu.memory_space<vmem>> -> memref<400xi32, #tpu.memory_space<vmem>>
      %dma_wait3A_464 = arith.constant 0 : i32
      %dma_wait3A_465 = arith.constant 0 : i32
      %dma_wait3A_466 = tpu.memref_slice %arg2[%dma_wait3A_464, %dma_wait3A_465] : memref<1000x16xf32, #tpu.memory_space<hbm>> -> memref<1000x16xf32, #tpu.memory_space<hbm>>
      tpu.wait_indirect_dma semaphore(%arg10 : memref<!tpu.dma_semaphore, #tpu.memory_space<semaphore_mem>>) src(%dma_wait3A_466 : memref<1000x16xf32, #tpu.memory_space<hbm>>) dst(%dma_wait3A_462 : memref<400x16xf32, #tpu.memory_space<vmem>>)
      %broadcast_in_dim3A_467 = arith.constant 0.000000e+00 : f32
      %broadcast_in_dim3A_468 = vector.broadcast %broadcast_in_dim3A_467 : f32 to vector<16xf32>
      %scan3A_469 = arith.constant 0 : i32
      %scan3A_470 = arith.constant 50 : i32
      %scan3A_471 = arith.addi %scan3A_469, %scan3A_470 : i32
      %scan3A_472 = arith.constant 1 : i32
      %scan3A_473 = scf.for %scan3A_612 = %scan3A_469 to %scan3A_471 step %scan3A_472 iter_args(%scan3A_613 = %broadcast_in_dim3A_468) -> (vector<16xf32>)  : i32 {
        %add3A_614 = arith.constant 0 : i32
        %add3A_615 = arith.addi %add3A_614, %scan3A_612 : i32
        %get3A_616 = arith.constant 1 : i32
        %get3A_617 = arith.index_cast %get3A_616 : i32 to index
        %get3A_618 = arith.index_cast %add3A_615 : i32 to index
        %get3A_619 = arith.constant 0 : index
        %get3A_620 = tpu.vector_load %arg6[%get3A_617, %get3A_618, %get3A_619] {strides = array<i32>} : memref<2x400x16xf32, #tpu.memory_space<vmem>>, vector<1x1x16xf32>,
        %get3A_621 = vector.shape_cast %get3A_620 : vector<1x1x16xf32> to vector<16xf32>
        %add3A_622 = arith.addf %scan3A_613, %get3A_621 : vector<16xf32>
        scf.yield %add3A_622 : vector<16xf32>
      }
      %scan3A_474 = arith.constant 50 : i32
      %slice3A_475 = vector.extract_strided_slice %scan3A_473 {offsets = [0], sizes = [1], strides = [1]} : vector<16xf32> to vector<1xf32>
      %squeeze3A_476 = vector.extract %slice3A_475[0] : f32 from vector<1xf32>
      %mul3A_477 = arith.constant 2.000000e-02 : f32
      %mul3A_478 = arith.mulf %squeeze3A_476, %mul3A_477 : f32
      %mul3A_479 = arith.constant 8 : i32
      %mul3A_480 = arith.muli %add3A_448, %mul3A_479 : i32
      %add3A_481 = arith.constant 0 : i32
      %add3A_482 = arith.addi %mul3A_480, %add3A_481 : i32
      %swap3A_483 = arith.index_cast %add3A_482 : i32 to index
      %swap3A_484 = memref.load %arg8[%swap3A_483] : memref<32xf32, #tpu.memory_space<smem>>
      memref.store %mul3A_478, %arg8[%swap3A_483] : memref<32xf32, #tpu.memory_space<smem>>
      %broadcast_in_dim3A_485 = arith.constant 0.000000e+00 : f32
      %broadcast_in_dim3A_486 = vector.broadcast %broadcast_in_dim3A_485 : f32 to vector<16xf32>
      %scan3A_487 = arith.constant 0 : i32
      %scan3A_488 = arith.constant 50 : i32
      %scan3A_489 = arith.addi %scan3A_487, %scan3A_488 : i32
      %scan3A_490 = arith.constant 1 : i32
      %scan3A_491 = scf.for %scan3A_612 = %scan3A_487 to %scan3A_489 step %scan3A_490 iter_args(%scan3A_613 = %broadcast_in_dim3A_486) -> (vector<16xf32>)  : i32 {
        %add3A_614 = arith.constant 50 : i32
        %add3A_615 = arith.addi %add3A_614, %scan3A_612 : i32
        %get3A_616 = arith.constant 1 : i32
        %get3A_617 = arith.index_cast %get3A_616 : i32 to index
        %get3A_618 = arith.index_cast %add3A_615 : i32 to index
        %get3A_619 = arith.constant 0 : index
        %get3A_620 = tpu.vector_load %arg6[%get3A_617, %get3A_618, %get3A_619] {strides = array<i32>} : memref<2x400x16xf32, #tpu.memory_space<vmem>>, vector<1x1x16xf32>,
        %get3A_621 = vector.shape_cast %get3A_620 : vector<1x1x16xf32> to vector<16xf32>
        %add3A_622 = arith.addf %scan3A_613, %get3A_621 : vector<16xf32>
        scf.yield %add3A_622 : vector<16xf32>
      }
      %scan3A_492 = arith.constant 50 : i32
      %slice3A_493 = vector.extract_strided_slice %scan3A_491 {offsets = [0], sizes = [1], strides = [1]} : vector<16xf32> to vector<1xf32>
      %squeeze3A_494 = vector.extract %slice3A_493[0] : f32 from vector<1xf32>
      %mul3A_495 = arith.constant 2.000000e-02 : f32
      %mul3A_496 = arith.mulf %squeeze3A_494, %mul3A_495 : f32
      %mul3A_497 = arith.constant 8 : i32
      %mul3A_498 = arith.muli %add3A_448, %mul3A_497 : i32
      %add3A_499 = arith.constant 1 : i32
      %add3A_500 = arith.addi %mul3A_498, %add3A_499 : i32
      %swap3A_501 = arith.index_cast %add3A_500 : i32 to index
      %swap3A_502 = memref.load %arg8[%swap3A_501] : memref<32xf32, #tpu.memory_space<smem>>
      memref.store %mul3A_496, %arg8[%swap3A_501] : memref<32xf32, #tpu.memory_space<smem>>
      %broadcast_in_dim3A_503 = arith.constant 0.000000e+00 : f32
      %broadcast_in_dim3A_504 = vector.broadcast %broadcast_in_dim3A_503 : f32 to vector<16xf32>
      %scan3A_505 = arith.constant 0 : i32
      %scan3A_506 = arith.constant 50 : i32
      %scan3A_507 = arith.addi %scan3A_505, %scan3A_506 : i32
      %scan3A_508 = arith.constant 1 : i32
      %scan3A_509 = scf.for %scan3A_612 = %scan3A_505 to %scan3A_507 step %scan3A_508 iter_args(%scan3A_613 = %broadcast_in_dim3A_504) -> (vector<16xf32>)  : i32 {
        %add3A_614 = arith.constant 100 : i32
        %add3A_615 = arith.addi %add3A_614, %scan3A_612 : i32
        %get3A_616 = arith.constant 1 : i32
        %get3A_617 = arith.index_cast %get3A_616 : i32 to index
        %get3A_618 = arith.index_cast %add3A_615 : i32 to index
        %get3A_619 = arith.constant 0 : index
        %get3A_620 = tpu.vector_load %arg6[%get3A_617, %get3A_618, %get3A_619] {strides = array<i32>} : memref<2x400x16xf32, #tpu.memory_space<vmem>>, vector<1x1x16xf32>,
        %get3A_621 = vector.shape_cast %get3A_620 : vector<1x1x16xf32> to vector<16xf32>
        %add3A_622 = arith.addf %scan3A_613, %get3A_621 : vector<16xf32>
        scf.yield %add3A_622 : vector<16xf32>
      }
      %scan3A_510 = arith.constant 50 : i32
      %slice3A_511 = vector.extract_strided_slice %scan3A_509 {offsets = [0], sizes = [1], strides = [1]} : vector<16xf32> to vector<1xf32>
      %squeeze3A_512 = vector.extract %slice3A_511[0] : f32 from vector<1xf32>
      %mul3A_513 = arith.constant 2.000000e-02 : f32
      %mul3A_514 = arith.mulf %squeeze3A_512, %mul3A_513 : f32
      %mul3A_515 = arith.constant 8 : i32
      %mul3A_516 = arith.muli %add3A_448, %mul3A_515 : i32
      %add3A_517 = arith.constant 2 : i32
      %add3A_518 = arith.addi %mul3A_516, %add3A_517 : i32
      %swap3A_519 = arith.index_cast %add3A_518 : i32 to index
      %swap3A_520 = memref.load %arg8[%swap3A_519] : memref<32xf32, #tpu.memory_space<smem>>
      memref.store %mul3A_514, %arg8[%swap3A_519] : memref<32xf32, #tpu.memory_space<smem>>
      %broadcast_in_dim3A_521 = arith.constant 0.000000e+00 : f32
      %broadcast_in_dim3A_522 = vector.broadcast %broadcast_in_dim3A_521 : f32 to vector<16xf32>
      %scan3A_523 = arith.constant 0 : i32
      %scan3A_524 = arith.constant 50 : i32
      %scan3A_525 = arith.addi %scan3A_523, %scan3A_524 : i32
      %scan3A_526 = arith.constant 1 : i32
      %scan3A_527 = scf.for %scan3A_612 = %scan3A_523 to %scan3A_525 step %scan3A_526 iter_args(%scan3A_613 = %broadcast_in_dim3A_522) -> (vector<16xf32>)  : i32 {
        %add3A_614 = arith.constant 150 : i32
        %add3A_615 = arith.addi %add3A_614, %scan3A_612 : i32
        %get3A_616 = arith.constant 1 : i32
        %get3A_617 = arith.index_cast %get3A_616 : i32 to index
        %get3A_618 = arith.index_cast %add3A_615 : i32 to index
        %get3A_619 = arith.constant 0 : index
        %get3A_620 = tpu.vector_load %arg6[%get3A_617, %get3A_618, %get3A_619] {strides = array<i32>} : memref<2x400x16xf32, #tpu.memory_space<vmem>>, vector<1x1x16xf32>,
        %get3A_621 = vector.shape_cast %get3A_620 : vector<1x1x16xf32> to vector<16xf32>
        %add3A_622 = arith.addf %scan3A_613, %get3A_621 : vector<16xf32>
        scf.yield %add3A_622 : vector<16xf32>
      }
      %scan3A_528 = arith.constant 50 : i32
      %slice3A_529 = vector.extract_strided_slice %scan3A_527 {offsets = [0], sizes = [1], strides = [1]} : vector<16xf32> to vector<1xf32>
      %squeeze3A_530 = vector.extract %slice3A_529[0] : f32 from vector<1xf32>
      %mul3A_531 = arith.constant 2.000000e-02 : f32
      %mul3A_532 = arith.mulf %squeeze3A_530, %mul3A_531 : f32
      %mul3A_533 = arith.constant 8 : i32
      %mul3A_534 = arith.muli %add3A_448, %mul3A_533 : i32
      %add3A_535 = arith.constant 3 : i32
      %add3A_536 = arith.addi %mul3A_534, %add3A_535 : i32
      %swap3A_537 = arith.index_cast %add3A_536 : i32 to index
      %swap3A_538 = memref.load %arg8[%swap3A_537] : memref<32xf32, #tpu.memory_space<smem>>
      memref.store %mul3A_532, %arg8[%swap3A_537] : memref<32xf32, #tpu.memory_space<smem>>
      %broadcast_in_dim3A_539 = arith.constant 0.000000e+00 : f32
      %broadcast_in_dim3A_540 = vector.broadcast %broadcast_in_dim3A_539 : f32 to vector<16xf32>
      %scan3A_541 = arith.constant 0 : i32
      %scan3A_542 = arith.constant 50 : i32
      %scan3A_543 = arith.addi %scan3A_541, %scan3A_542 : i32
      %scan3A_544 = arith.constant 1 : i32
      %scan3A_545 = scf.for %scan3A_612 = %scan3A_541 to %scan3A_543 step %scan3A_544 iter_args(%scan3A_613 = %broadcast_in_dim3A_540) -> (vector<16xf32>)  : i32 {
        %add3A_614 = arith.constant 200 : i32
        %add3A_615 = arith.addi %add3A_614, %scan3A_612 : i32
        %get3A_616 = arith.constant 1 : i32
        %get3A_617 = arith.index_cast %get3A_616 : i32 to index
        %get3A_618 = arith.index_cast %add3A_615 : i32 to index
        %get3A_619 = arith.constant 0 : index
        %get3A_620 = tpu.vector_load %arg6[%get3A_617, %get3A_618, %get3A_619] {strides = array<i32>} : memref<2x400x16xf32, #tpu.memory_space<vmem>>, vector<1x1x16xf32>,
        %get3A_621 = vector.shape_cast %get3A_620 : vector<1x1x16xf32> to vector<16xf32>
        %add3A_622 = arith.addf %scan3A_613, %get3A_621 : vector<16xf32>
        scf.yield %add3A_622 : vector<16xf32>
      }
      %scan3A_546 = arith.constant 50 : i32
      %slice3A_547 = vector.extract_strided_slice %scan3A_545 {offsets = [0], sizes = [1], strides = [1]} : vector<16xf32> to vector<1xf32>
      %squeeze3A_548 = vector.extract %slice3A_547[0] : f32 from vector<1xf32>
      %mul3A_549 = arith.constant 2.000000e-02 : f32
      %mul3A_550 = arith.mulf %squeeze3A_548, %mul3A_549 : f32
      %mul3A_551 = arith.constant 8 : i32
      %mul3A_552 = arith.muli %add3A_448, %mul3A_551 : i32
      %add3A_553 = arith.constant 4 : i32
      %add3A_554 = arith.addi %mul3A_552, %add3A_553 : i32
      %swap3A_555 = arith.index_cast %add3A_554 : i32 to index
      %swap3A_556 = memref.load %arg8[%swap3A_555] : memref<32xf32, #tpu.memory_space<smem>>
      memref.store %mul3A_550, %arg8[%swap3A_555] : memref<32xf32, #tpu.memory_space<smem>>
      %broadcast_in_dim3A_557 = arith.constant 0.000000e+00 : f32
      %broadcast_in_dim3A_558 = vector.broadcast %broadcast_in_dim3A_557 : f32 to vector<16xf32>
      %scan3A_559 = arith.constant 0 : i32
      %scan3A_560 = arith.constant 50 : i32
      %scan3A_561 = arith.addi %scan3A_559, %scan3A_560 : i32
      %scan3A_562 = arith.constant 1 : i32
      %scan3A_563 = scf.for %scan3A_612 = %scan3A_559 to %scan3A_561 step %scan3A_562 iter_args(%scan3A_613 = %broadcast_in_dim3A_558) -> (vector<16xf32>)  : i32 {
        %add3A_614 = arith.constant 250 : i32
        %add3A_615 = arith.addi %add3A_614, %scan3A_612 : i32
        %get3A_616 = arith.constant 1 : i32
        %get3A_617 = arith.index_cast %get3A_616 : i32 to index
        %get3A_618 = arith.index_cast %add3A_615 : i32 to index
        %get3A_619 = arith.constant 0 : index
        %get3A_620 = tpu.vector_load %arg6[%get3A_617, %get3A_618, %get3A_619] {strides = array<i32>} : memref<2x400x16xf32, #tpu.memory_space<vmem>>, vector<1x1x16xf32>,
        %get3A_621 = vector.shape_cast %get3A_620 : vector<1x1x16xf32> to vector<16xf32>
        %add3A_622 = arith.addf %scan3A_613, %get3A_621 : vector<16xf32>
        scf.yield %add3A_622 : vector<16xf32>
      }
      %scan3A_564 = arith.constant 50 : i32
      %slice3A_565 = vector.extract_strided_slice %scan3A_563 {offsets = [0], sizes = [1], strides = [1]} : vector<16xf32> to vector<1xf32>
      %squeeze3A_566 = vector.extract %slice3A_565[0] : f32 from vector<1xf32>
      %mul3A_567 = arith.constant 2.000000e-02 : f32
      %mul3A_568 = arith.mulf %squeeze3A_566, %mul3A_567 : f32
      %mul3A_569 = arith.constant 8 : i32
      %mul3A_570 = arith.muli %add3A_448, %mul3A_569 : i32
      %add3A_571 = arith.constant 5 : i32
      %add3A_572 = arith.addi %mul3A_570, %add3A_571 : i32
      %swap3A_573 = arith.index_cast %add3A_572 : i32 to index
      %swap3A_574 = memref.load %arg8[%swap3A_573] : memref<32xf32, #tpu.memory_space<smem>>
      memref.store %mul3A_568, %arg8[%swap3A_573] : memref<32xf32, #tpu.memory_space<smem>>
      %broadcast_in_dim3A_575 = arith.constant 0.000000e+00 : f32
      %broadcast_in_dim3A_576 = vector.broadcast %broadcast_in_dim3A_575 : f32 to vector<16xf32>
      %scan3A_577 = arith.constant 0 : i32
      %scan3A_578 = arith.constant 50 : i32
      %scan3A_579 = arith.addi %scan3A_577, %scan3A_578 : i32
      %scan3A_580 = arith.constant 1 : i32
      %scan3A_581 = scf.for %scan3A_612 = %scan3A_577 to %scan3A_579 step %scan3A_580 iter_args(%scan3A_613 = %broadcast_in_dim3A_576) -> (vector<16xf32>)  : i32 {
        %add3A_614 = arith.constant 300 : i32
        %add3A_615 = arith.addi %add3A_614, %scan3A_612 : i32
        %get3A_616 = arith.constant 1 : i32
        %get3A_617 = arith.index_cast %get3A_616 : i32 to index
        %get3A_618 = arith.index_cast %add3A_615 : i32 to index
        %get3A_619 = arith.constant 0 : index
        %get3A_620 = tpu.vector_load %arg6[%get3A_617, %get3A_618, %get3A_619] {strides = array<i32>} : memref<2x400x16xf32, #tpu.memory_space<vmem>>, vector<1x1x16xf32>,
        %get3A_621 = vector.shape_cast %get3A_620 : vector<1x1x16xf32> to vector<16xf32>
        %add3A_622 = arith.addf %scan3A_613, %get3A_621 : vector<16xf32>
        scf.yield %add3A_622 : vector<16xf32>
      }
      %scan3A_582 = arith.constant 50 : i32
      %slice3A_583 = vector.extract_strided_slice %scan3A_581 {offsets = [0], sizes = [1], strides = [1]} : vector<16xf32> to vector<1xf32>
      %squeeze3A_584 = vector.extract %slice3A_583[0] : f32 from vector<1xf32>
      %mul3A_585 = arith.constant 2.000000e-02 : f32
      %mul3A_586 = arith.mulf %squeeze3A_584, %mul3A_585 : f32
      %mul3A_587 = arith.constant 8 : i32
      %mul3A_588 = arith.muli %add3A_448, %mul3A_587 : i32
      %add3A_589 = arith.constant 6 : i32
      %add3A_590 = arith.addi %mul3A_588, %add3A_589 : i32
      %swap3A_591 = arith.index_cast %add3A_590 : i32 to index
      %swap3A_592 = memref.load %arg8[%swap3A_591] : memref<32xf32, #tpu.memory_space<smem>>
      memref.store %mul3A_586, %arg8[%swap3A_591] : memref<32xf32, #tpu.memory_space<smem>>
      %broadcast_in_dim3A_593 = arith.constant 0.000000e+00 : f32
      %broadcast_in_dim3A_594 = vector.broadcast %broadcast_in_dim3A_593 : f32 to vector<16xf32>
      %scan3A_595 = arith.constant 0 : i32
      %scan3A_596 = arith.constant 50 : i32
      %scan3A_597 = arith.addi %scan3A_595, %scan3A_596 : i32
      %scan3A_598 = arith.constant 1 : i32
      %scan3A_599 = scf.for %scan3A_612 = %scan3A_595 to %scan3A_597 step %scan3A_598 iter_args(%scan3A_613 = %broadcast_in_dim3A_594) -> (vector<16xf32>)  : i32 {
        %add3A_614 = arith.constant 350 : i32
        %add3A_615 = arith.addi %add3A_614, %scan3A_612 : i32
        %get3A_616 = arith.constant 1 : i32
        %get3A_617 = arith.index_cast %get3A_616 : i32 to index
        %get3A_618 = arith.index_cast %add3A_615 : i32 to index
        %get3A_619 = arith.constant 0 : index
        %get3A_620 = tpu.vector_load %arg6[%get3A_617, %get3A_618, %get3A_619] {strides = array<i32>} : memref<2x400x16xf32, #tpu.memory_space<vmem>>, vector<1x1x16xf32>,
        %get3A_621 = vector.shape_cast %get3A_620 : vector<1x1x16xf32> to vector<16xf32>
        %add3A_622 = arith.addf %scan3A_613, %get3A_621 : vector<16xf32>
        scf.yield %add3A_622 : vector<16xf32>
      }
      %scan3A_600 = arith.constant 50 : i32
      %slice3A_601 = vector.extract_strided_slice %scan3A_599 {offsets = [0], sizes = [1], strides = [1]} : vector<16xf32> to vector<1xf32>
      %squeeze3A_602 = vector.extract %slice3A_601[0] : f32 from vector<1xf32>
      %mul3A_603 = arith.constant 2.000000e-02 : f32
      %mul3A_604 = arith.mulf %squeeze3A_602, %mul3A_603 : f32
      %mul3A_605 = arith.constant 8 : i32
      %mul3A_606 = arith.muli %add3A_448, %mul3A_605 : i32
      %add3A_607 = arith.constant 7 : i32
      %add3A_608 = arith.addi %mul3A_606, %add3A_607 : i32
      %swap3A_609 = arith.index_cast %add3A_608 : i32 to index
      %swap3A_610 = memref.load %arg8[%swap3A_609] : memref<32xf32, #tpu.memory_space<smem>>
      memref.store %mul3A_604, %arg8[%swap3A_609] : memref<32xf32, #tpu.memory_space<smem>>
      %scan3A_611 = arith.constant 0 : i32
      scf.yield %scan3A_611 : i32
    }
    %scan3A_17 = arith.constant 2 : i32
    %iota3A = tpu.iota {dimensions = array<i32: 0>} : vector<16xi32>
    %broadcast_in_dim3A = arith.constant 0.000000e+00 : f32
    %broadcast_in_dim3A_18 = vector.broadcast %broadcast_in_dim3A : f32 to vector<16xf32>
    %get3A = arith.constant 0 : i32
    %get3A_19 = arith.index_cast %get3A : i32 to index
    %get3A_20 = memref.load %arg8[%get3A_19] : memref<32xf32, #tpu.memory_space<smem>>
    %eq3A = arith.constant 0 : i32
    %eq3A_21 = vector.broadcast %eq3A : i32 to vector<16xi32>
    %eq3A_22 = arith.cmpi eq, %iota3A, %eq3A_21 : vector<16xi32>
    %broadcast_in_dim3A_23 = vector.broadcast %get3A_20 : f32 to vector<16xf32>
    %select_n3A = arith.select %eq3A_22, %broadcast_in_dim3A_23, %broadcast_in_dim3A_18 : vector<16xi1>, vector<16xf32>
    %get3A_24 = arith.constant 1 : i32
    %get3A_25 = arith.index_cast %get3A_24 : i32 to index
    %get3A_26 = memref.load %arg8[%get3A_25] : memref<32xf32, #tpu.memory_space<smem>>
    %eq3A_27 = arith.constant 1 : i32
    %eq3A_28 = vector.broadcast %eq3A_27 : i32 to vector<16xi32>
    %eq3A_29 = arith.cmpi eq, %iota3A, %eq3A_28 : vector<16xi32>
    %broadcast_in_dim3A_30 = vector.broadcast %get3A_26 : f32 to vector<16xf32>
    %select_n3A_31 = arith.select %eq3A_29, %broadcast_in_dim3A_30, %select_n3A : vector<16xi1>, vector<16xf32>
    %get3A_32 = arith.constant 2 : i32
    %get3A_33 = arith.index_cast %get3A_32 : i32 to index
    %get3A_34 = memref.load %arg8[%get3A_33] : memref<32xf32, #tpu.memory_space<smem>>
    %eq3A_35 = arith.constant 2 : i32
    %eq3A_36 = vector.broadcast %eq3A_35 : i32 to vector<16xi32>
    %eq3A_37 = arith.cmpi eq, %iota3A, %eq3A_36 : vector<16xi32>
    %broadcast_in_dim3A_38 = vector.broadcast %get3A_34 : f32 to vector<16xf32>
    %select_n3A_39 = arith.select %eq3A_37, %broadcast_in_dim3A_38, %select_n3A_31 : vector<16xi1>, vector<16xf32>
    %get3A_40 = arith.constant 3 : i32
    %get3A_41 = arith.index_cast %get3A_40 : i32 to index
    %get3A_42 = memref.load %arg8[%get3A_41] : memref<32xf32, #tpu.memory_space<smem>>
    %eq3A_43 = arith.constant 3 : i32
    %eq3A_44 = vector.broadcast %eq3A_43 : i32 to vector<16xi32>
    %eq3A_45 = arith.cmpi eq, %iota3A, %eq3A_44 : vector<16xi32>
    %broadcast_in_dim3A_46 = vector.broadcast %get3A_42 : f32 to vector<16xf32>
    %select_n3A_47 = arith.select %eq3A_45, %broadcast_in_dim3A_46, %select_n3A_39 : vector<16xi1>, vector<16xf32>
    %get3A_48 = arith.constant 4 : i32
    %get3A_49 = arith.index_cast %get3A_48 : i32 to index
    %get3A_50 = memref.load %arg8[%get3A_49] : memref<32xf32, #tpu.memory_space<smem>>
    %eq3A_51 = arith.constant 4 : i32
    %eq3A_52 = vector.broadcast %eq3A_51 : i32 to vector<16xi32>
    %eq3A_53 = arith.cmpi eq, %iota3A, %eq3A_52 : vector<16xi32>
    %broadcast_in_dim3A_54 = vector.broadcast %get3A_50 : f32 to vector<16xf32>
    %select_n3A_55 = arith.select %eq3A_53, %broadcast_in_dim3A_54, %select_n3A_47 : vector<16xi1>, vector<16xf32>
    %get3A_56 = arith.constant 5 : i32
    %get3A_57 = arith.index_cast %get3A_56 : i32 to index
    %get3A_58 = memref.load %arg8[%get3A_57] : memref<32xf32, #tpu.memory_space<smem>>
    %eq3A_59 = arith.constant 5 : i32
    %eq3A_60 = vector.broadcast %eq3A_59 : i32 to vector<16xi32>
    %eq3A_61 = arith.cmpi eq, %iota3A, %eq3A_60 : vector<16xi32>
    %broadcast_in_dim3A_62 = vector.broadcast %get3A_58 : f32 to vector<16xf32>
    %select_n3A_63 = arith.select %eq3A_61, %broadcast_in_dim3A_62, %select_n3A_55 : vector<16xi1>, vector<16xf32>
    %get3A_64 = arith.constant 6 : i32
    %get3A_65 = arith.index_cast %get3A_64 : i32 to index
    %get3A_66 = memref.load %arg8[%get3A_65] : memref<32xf32, #tpu.memory_space<smem>>
    %eq3A_67 = arith.constant 6 : i32
    %eq3A_68 = vector.broadcast %eq3A_67 : i32 to vector<16xi32>
    %eq3A_69 = arith.cmpi eq, %iota3A, %eq3A_68 : vector<16xi32>
    %broadcast_in_dim3A_70 = vector.broadcast %get3A_66 : f32 to vector<16xf32>
    %select_n3A_71 = arith.select %eq3A_69, %broadcast_in_dim3A_70, %select_n3A_63 : vector<16xi1>, vector<16xf32>
    %get3A_72 = arith.constant 7 : i32
    %get3A_73 = arith.index_cast %get3A_72 : i32 to index
    %get3A_74 = memref.load %arg8[%get3A_73] : memref<32xf32, #tpu.memory_space<smem>>
    %eq3A_75 = arith.constant 7 : i32
    %eq3A_76 = vector.broadcast %eq3A_75 : i32 to vector<16xi32>
    %eq3A_77 = arith.cmpi eq, %iota3A, %eq3A_76 : vector<16xi32>
    %broadcast_in_dim3A_78 = vector.broadcast %get3A_74 : f32 to vector<16xf32>
    %select_n3A_79 = arith.select %eq3A_77, %broadcast_in_dim3A_78, %select_n3A_71 : vector<16xi1>, vector<16xf32>
    %get3A_80 = arith.constant 8 : i32
    %get3A_81 = arith.index_cast %get3A_80 : i32 to index
    %get3A_82 = memref.load %arg8[%get3A_81] : memref<32xf32, #tpu.memory_space<smem>>
    %eq3A_83 = arith.constant 8 : i32
    %eq3A_84 = vector.broadcast %eq3A_83 : i32 to vector<16xi32>
    %eq3A_85 = arith.cmpi eq, %iota3A, %eq3A_84 : vector<16xi32>
    %broadcast_in_dim3A_86 = vector.broadcast %get3A_82 : f32 to vector<16xf32>
    %select_n3A_87 = arith.select %eq3A_85, %broadcast_in_dim3A_86, %select_n3A_79 : vector<16xi1>, vector<16xf32>
    %get3A_88 = arith.constant 9 : i32
    %get3A_89 = arith.index_cast %get3A_88 : i32 to index
    %get3A_90 = memref.load %arg8[%get3A_89] : memref<32xf32, #tpu.memory_space<smem>>
    %eq3A_91 = arith.constant 9 : i32
    %eq3A_92 = vector.broadcast %eq3A_91 : i32 to vector<16xi32>
    %eq3A_93 = arith.cmpi eq, %iota3A, %eq3A_92 : vector<16xi32>
    %broadcast_in_dim3A_94 = vector.broadcast %get3A_90 : f32 to vector<16xf32>
    %select_n3A_95 = arith.select %eq3A_93, %broadcast_in_dim3A_94, %select_n3A_87 : vector<16xi1>, vector<16xf32>
    %get3A_96 = arith.constant 10 : i32
    %get3A_97 = arith.index_cast %get3A_96 : i32 to index
    %get3A_98 = memref.load %arg8[%get3A_97] : memref<32xf32, #tpu.memory_space<smem>>
    %eq3A_99 = arith.constant 10 : i32
    %eq3A_100 = vector.broadcast %eq3A_99 : i32 to vector<16xi32>
    %eq3A_101 = arith.cmpi eq, %iota3A, %eq3A_100 : vector<16xi32>
    %broadcast_in_dim3A_102 = vector.broadcast %get3A_98 : f32 to vector<16xf32>
    %select_n3A_103 = arith.select %eq3A_101, %broadcast_in_dim3A_102, %select_n3A_95 : vector<16xi1>, vector<16xf32>
    %get3A_104 = arith.constant 11 : i32
    %get3A_105 = arith.index_cast %get3A_104 : i32 to index
    %get3A_106 = memref.load %arg8[%get3A_105] : memref<32xf32, #tpu.memory_space<smem>>
    %eq3A_107 = arith.constant 11 : i32
    %eq3A_108 = vector.broadcast %eq3A_107 : i32 to vector<16xi32>
    %eq3A_109 = arith.cmpi eq, %iota3A, %eq3A_108 : vector<16xi32>
    %broadcast_in_dim3A_110 = vector.broadcast %get3A_106 : f32 to vector<16xf32>
    %select_n3A_111 = arith.select %eq3A_109, %broadcast_in_dim3A_110, %select_n3A_103 : vector<16xi1>, vector<16xf32>
    %get3A_112 = arith.constant 12 : i32
    %get3A_113 = arith.index_cast %get3A_112 : i32 to index
    %get3A_114 = memref.load %arg8[%get3A_113] : memref<32xf32, #tpu.memory_space<smem>>
    %eq3A_115 = arith.constant 12 : i32
    %eq3A_116 = vector.broadcast %eq3A_115 : i32 to vector<16xi32>
    %eq3A_117 = arith.cmpi eq, %iota3A, %eq3A_116 : vector<16xi32>
    %broadcast_in_dim3A_118 = vector.broadcast %get3A_114 : f32 to vector<16xf32>
    %select_n3A_119 = arith.select %eq3A_117, %broadcast_in_dim3A_118, %select_n3A_111 : vector<16xi1>, vector<16xf32>
    %get3A_120 = arith.constant 13 : i32
    %get3A_121 = arith.index_cast %get3A_120 : i32 to index
    %get3A_122 = memref.load %arg8[%get3A_121] : memref<32xf32, #tpu.memory_space<smem>>
    %eq3A_123 = arith.constant 13 : i32
    %eq3A_124 = vector.broadcast %eq3A_123 : i32 to vector<16xi32>
    %eq3A_125 = arith.cmpi eq, %iota3A, %eq3A_124 : vector<16xi32>
    %broadcast_in_dim3A_126 = vector.broadcast %get3A_122 : f32 to vector<16xf32>
    %select_n3A_127 = arith.select %eq3A_125, %broadcast_in_dim3A_126, %select_n3A_119 : vector<16xi1>, vector<16xf32>
    %get3A_128 = arith.constant 14 : i32
    %get3A_129 = arith.index_cast %get3A_128 : i32 to index
    %get3A_130 = memref.load %arg8[%get3A_129] : memref<32xf32, #tpu.memory_space<smem>>
    %eq3A_131 = arith.constant 14 : i32
    %eq3A_132 = vector.broadcast %eq3A_131 : i32 to vector<16xi32>
    %eq3A_133 = arith.cmpi eq, %iota3A, %eq3A_132 : vector<16xi32>
    %broadcast_in_dim3A_134 = vector.broadcast %get3A_130 : f32 to vector<16xf32>
    %select_n3A_135 = arith.select %eq3A_133, %broadcast_in_dim3A_134, %select_n3A_127 : vector<16xi1>, vector<16xf32>
    %get3A_136 = arith.constant 15 : i32
    %get3A_137 = arith.index_cast %get3A_136 : i32 to index
    %get3A_138 = memref.load %arg8[%get3A_137] : memref<32xf32, #tpu.memory_space<smem>>
    %eq3A_139 = arith.constant 15 : i32
    %eq3A_140 = vector.broadcast %eq3A_139 : i32 to vector<16xi32>
    %eq3A_141 = arith.cmpi eq, %iota3A, %eq3A_140 : vector<16xi32>
    %broadcast_in_dim3A_142 = vector.broadcast %get3A_138 : f32 to vector<16xf32>
    %select_n3A_143 = arith.select %eq3A_141, %broadcast_in_dim3A_142, %select_n3A_135 : vector<16xi1>, vector<16xf32>
    %swap3A = arith.constant 0 : index
    %swap3A_144 = tpu.vector_load %arg7[%swap3A] {strides = array<i32>} : memref<32xf32, #tpu.memory_space<vmem>>, vector<16xf32>,
    %swap3A_145 = vector.shape_cast %swap3A_144 : vector<16xf32> to vector<16xf32>
    %swap3A_146 = vector.shape_cast %select_n3A_143 : vector<16xf32> to vector<16xf32>
    tpu.vector_store %arg7[%swap3A], %swap3A_146 {strides = array<i32>} : memref<32xf32, #tpu.memory_space<vmem>>, vector<16xf32>,
    %broadcast_in_dim3A_147 = arith.constant 0.000000e+00 : f32
    %broadcast_in_dim3A_148 = vector.broadcast %broadcast_in_dim3A_147 : f32 to vector<16xf32>
    %get3A_149 = arith.constant 16 : i32
    %get3A_150 = arith.index_cast %get3A_149 : i32 to index
    %get3A_151 = memref.load %arg8[%get3A_150] : memref<32xf32, #tpu.memory_space<smem>>
    %eq3A_152 = arith.constant 0 : i32
    %eq3A_153 = vector.broadcast %eq3A_152 : i32 to vector<16xi32>
    %eq3A_154 = arith.cmpi eq, %iota3A, %eq3A_153 : vector<16xi32>
    %broadcast_in_dim3A_155 = vector.broadcast %get3A_151 : f32 to vector<16xf32>
    %select_n3A_156 = arith.select %eq3A_154, %broadcast_in_dim3A_155, %broadcast_in_dim3A_148 : vector<16xi1>, vector<16xf32>
    %get3A_157 = arith.constant 17 : i32
    %get3A_158 = arith.index_cast %get3A_157 : i32 to index
    %get3A_159 = memref.load %arg8[%get3A_158] : memref<32xf32, #tpu.memory_space<smem>>
    %eq3A_160 = arith.constant 1 : i32
    %eq3A_161 = vector.broadcast %eq3A_160 : i32 to vector<16xi32>
    %eq3A_162 = arith.cmpi eq, %iota3A, %eq3A_161 : vector<16xi32>
    %broadcast_in_dim3A_163 = vector.broadcast %get3A_159 : f32 to vector<16xf32>
    %select_n3A_164 = arith.select %eq3A_162, %broadcast_in_dim3A_163, %select_n3A_156 : vector<16xi1>, vector<16xf32>
    %get3A_165 = arith.constant 18 : i32
    %get3A_166 = arith.index_cast %get3A_165 : i32 to index
    %get3A_167 = memref.load %arg8[%get3A_166] : memref<32xf32, #tpu.memory_space<smem>>
    %eq3A_168 = arith.constant 2 : i32
    %eq3A_169 = vector.broadcast %eq3A_168 : i32 to vector<16xi32>
    %eq3A_170 = arith.cmpi eq, %iota3A, %eq3A_169 : vector<16xi32>
    %broadcast_in_dim3A_171 = vector.broadcast %get3A_167 : f32 to vector<16xf32>
    %select_n3A_172 = arith.select %eq3A_170, %broadcast_in_dim3A_171, %select_n3A_164 : vector<16xi1>, vector<16xf32>
    %get3A_173 = arith.constant 19 : i32
    %get3A_174 = arith.index_cast %get3A_173 : i32 to index
    %get3A_175 = memref.load %arg8[%get3A_174] : memref<32xf32, #tpu.memory_space<smem>>
    %eq3A_176 = arith.constant 3 : i32
    %eq3A_177 = vector.broadcast %eq3A_176 : i32 to vector<16xi32>
    %eq3A_178 = arith.cmpi eq, %iota3A, %eq3A_177 : vector<16xi32>
    %broadcast_in_dim3A_179 = vector.broadcast %get3A_175 : f32 to vector<16xf32>
    %select_n3A_180 = arith.select %eq3A_178, %broadcast_in_dim3A_179, %select_n3A_172 : vector<16xi1>, vector<16xf32>
    %get3A_181 = arith.constant 20 : i32
    %get3A_182 = arith.index_cast %get3A_181 : i32 to index
    %get3A_183 = memref.load %arg8[%get3A_182] : memref<32xf32, #tpu.memory_space<smem>>
    %eq3A_184 = arith.constant 4 : i32
    %eq3A_185 = vector.broadcast %eq3A_184 : i32 to vector<16xi32>
    %eq3A_186 = arith.cmpi eq, %iota3A, %eq3A_185 : vector<16xi32>
    %broadcast_in_dim3A_187 = vector.broadcast %get3A_183 : f32 to vector<16xf32>
    %select_n3A_188 = arith.select %eq3A_186, %broadcast_in_dim3A_187, %select_n3A_180 : vector<16xi1>, vector<16xf32>
    %get3A_189 = arith.constant 21 : i32
    %get3A_190 = arith.index_cast %get3A_189 : i32 to index
    %get3A_191 = memref.load %arg8[%get3A_190] : memref<32xf32, #tpu.memory_space<smem>>
    %eq3A_192 = arith.constant 5 : i32
    %eq3A_193 = vector.broadcast %eq3A_192 : i32 to vector<16xi32>
    %eq3A_194 = arith.cmpi eq, %iota3A, %eq3A_193 : vector<16xi32>
    %broadcast_in_dim3A_195 = vector.broadcast %get3A_191 : f32 to vector<16xf32>
    %select_n3A_196 = arith.select %eq3A_194, %broadcast_in_dim3A_195, %select_n3A_188 : vector<16xi1>, vector<16xf32>
    %get3A_197 = arith.constant 22 : i32
    %get3A_198 = arith.index_cast %get3A_197 : i32 to index
    %get3A_199 = memref.load %arg8[%get3A_198] : memref<32xf32, #tpu.memory_space<smem>>
    %eq3A_200 = arith.constant 6 : i32
    %eq3A_201 = vector.broadcast %eq3A_200 : i32 to vector<16xi32>
    %eq3A_202 = arith.cmpi eq, %iota3A, %eq3A_201 : vector<16xi32>
    %broadcast_in_dim3A_203 = vector.broadcast %get3A_199 : f32 to vector<16xf32>
    %select_n3A_204 = arith.select %eq3A_202, %broadcast_in_dim3A_203, %select_n3A_196 : vector<16xi1>, vector<16xf32>
    %get3A_205 = arith.constant 23 : i32
    %get3A_206 = arith.index_cast %get3A_205 : i32 to index
    %get3A_207 = memref.load %arg8[%get3A_206] : memref<32xf32, #tpu.memory_space<smem>>
    %eq3A_208 = arith.constant 7 : i32
    %eq3A_209 = vector.broadcast %eq3A_208 : i32 to vector<16xi32>
    %eq3A_210 = arith.cmpi eq, %iota3A, %eq3A_209 : vector<16xi32>
    %broadcast_in_dim3A_211 = vector.broadcast %get3A_207 : f32 to vector<16xf32>
    %select_n3A_212 = arith.select %eq3A_210, %broadcast_in_dim3A_211, %select_n3A_204 : vector<16xi1>, vector<16xf32>
    %get3A_213 = arith.constant 24 : i32
    %get3A_214 = arith.index_cast %get3A_213 : i32 to index
    %get3A_215 = memref.load %arg8[%get3A_214] : memref<32xf32, #tpu.memory_space<smem>>
    %eq3A_216 = arith.constant 8 : i32
    %eq3A_217 = vector.broadcast %eq3A_216 : i32 to vector<16xi32>
    %eq3A_218 = arith.cmpi eq, %iota3A, %eq3A_217 : vector<16xi32>
    %broadcast_in_dim3A_219 = vector.broadcast %get3A_215 : f32 to vector<16xf32>
    %select_n3A_220 = arith.select %eq3A_218, %broadcast_in_dim3A_219, %select_n3A_212 : vector<16xi1>, vector<16xf32>
    %get3A_221 = arith.constant 25 : i32
    %get3A_222 = arith.index_cast %get3A_221 : i32 to index
    %get3A_223 = memref.load %arg8[%get3A_222] : memref<32xf32, #tpu.memory_space<smem>>
    %eq3A_224 = arith.constant 9 : i32
    %eq3A_225 = vector.broadcast %eq3A_224 : i32 to vector<16xi32>
    %eq3A_226 = arith.cmpi eq, %iota3A, %eq3A_225 : vector<16xi32>
    %broadcast_in_dim3A_227 = vector.broadcast %get3A_223 : f32 to vector<16xf32>
    %select_n3A_228 = arith.select %eq3A_226, %broadcast_in_dim3A_227, %select_n3A_220 : vector<16xi1>, vector<16xf32>
    %get3A_229 = arith.constant 26 : i32
    %get3A_230 = arith.index_cast %get3A_229 : i32 to index
    %get3A_231 = memref.load %arg8[%get3A_230] : memref<32xf32, #tpu.memory_space<smem>>
    %eq3A_232 = arith.constant 10 : i32
    %eq3A_233 = vector.broadcast %eq3A_232 : i32 to vector<16xi32>
    %eq3A_234 = arith.cmpi eq, %iota3A, %eq3A_233 : vector<16xi32>
    %broadcast_in_dim3A_235 = vector.broadcast %get3A_231 : f32 to vector<16xf32>
    %select_n3A_236 = arith.select %eq3A_234, %broadcast_in_dim3A_235, %select_n3A_228 : vector<16xi1>, vector<16xf32>
    %get3A_237 = arith.constant 27 : i32
    %get3A_238 = arith.index_cast %get3A_237 : i32 to index
    %get3A_239 = memref.load %arg8[%get3A_238] : memref<32xf32, #tpu.memory_space<smem>>
    %eq3A_240 = arith.constant 11 : i32
    %eq3A_241 = vector.broadcast %eq3A_240 : i32 to vector<16xi32>
    %eq3A_242 = arith.cmpi eq, %iota3A, %eq3A_241 : vector<16xi32>
    %broadcast_in_dim3A_243 = vector.broadcast %get3A_239 : f32 to vector<16xf32>
    %select_n3A_244 = arith.select %eq3A_242, %broadcast_in_dim3A_243, %select_n3A_236 : vector<16xi1>, vector<16xf32>
    %get3A_245 = arith.constant 28 : i32
    %get3A_246 = arith.index_cast %get3A_245 : i32 to index
    %get3A_247 = memref.load %arg8[%get3A_246] : memref<32xf32, #tpu.memory_space<smem>>
    %eq3A_248 = arith.constant 12 : i32
    %eq3A_249 = vector.broadcast %eq3A_248 : i32 to vector<16xi32>
    %eq3A_250 = arith.cmpi eq, %iota3A, %eq3A_249 : vector<16xi32>
    %broadcast_in_dim3A_251 = vector.broadcast %get3A_247 : f32 to vector<16xf32>
    %select_n3A_252 = arith.select %eq3A_250, %broadcast_in_dim3A_251, %select_n3A_244 : vector<16xi1>, vector<16xf32>
    %get3A_253 = arith.constant 29 : i32
    %get3A_254 = arith.index_cast %get3A_253 : i32 to index
    %get3A_255 = memref.load %arg8[%get3A_254] : memref<32xf32, #tpu.memory_space<smem>>
    %eq3A_256 = arith.constant 13 : i32
    %eq3A_257 = vector.broadcast %eq3A_256 : i32 to vector<16xi32>
    %eq3A_258 = arith.cmpi eq, %iota3A, %eq3A_257 : vector<16xi32>
    %broadcast_in_dim3A_259 = vector.broadcast %get3A_255 : f32 to vector<16xf32>
    %select_n3A_260 = arith.select %eq3A_258, %broadcast_in_dim3A_259, %select_n3A_252 : vector<16xi1>, vector<16xf32>
    %get3A_261 = arith.constant 30 : i32
    %get3A_262 = arith.index_cast %get3A_261 : i32 to index
    %get3A_263 = memref.load %arg8[%get3A_262] : memref<32xf32, #tpu.memory_space<smem>>
    %eq3A_264 = arith.constant 14 : i32
    %eq3A_265 = vector.broadcast %eq3A_264 : i32 to vector<16xi32>
    %eq3A_266 = arith.cmpi eq, %iota3A, %eq3A_265 : vector<16xi32>
    %broadcast_in_dim3A_267 = vector.broadcast %get3A_263 : f32 to vector<16xf32>
    %select_n3A_268 = arith.select %eq3A_266, %broadcast_in_dim3A_267, %select_n3A_260 : vector<16xi1>, vector<16xf32>
    %get3A_269 = arith.constant 31 : i32
    %get3A_270 = arith.index_cast %get3A_269 : i32 to index
    %get3A_271 = memref.load %arg8[%get3A_270] : memref<32xf32, #tpu.memory_space<smem>>
    %eq3A_272 = arith.constant 15 : i32
    %eq3A_273 = vector.broadcast %eq3A_272 : i32 to vector<16xi32>
    %eq3A_274 = arith.cmpi eq, %iota3A, %eq3A_273 : vector<16xi32>
    %broadcast_in_dim3A_275 = vector.broadcast %get3A_271 : f32 to vector<16xf32>
    %select_n3A_276 = arith.select %eq3A_274, %broadcast_in_dim3A_275, %select_n3A_268 : vector<16xi1>, vector<16xf32>
    %swap3A_277 = arith.constant 16 : index
    %swap3A_278 = tpu.vector_load %arg7[%swap3A_277] {strides = array<i32>} : memref<32xf32, #tpu.memory_space<vmem>>, vector<16xf32>,
    %swap3A_279 = vector.shape_cast %swap3A_278 : vector<16xf32> to vector<16xf32>
    %swap3A_280 = vector.shape_cast %select_n3A_276 : vector<16xf32> to vector<16xf32>
    tpu.vector_store %arg7[%swap3A_277], %swap3A_280 {strides = array<i32>} : memref<32xf32, #tpu.memory_space<vmem>>, vector<16xf32>,
    %mul3A_281 = arith.constant 32 : i32
    %mul3A_282 = arith.muli %add3A, %mul3A_281 : i32
    "tpu.region"() ({
      %run_scoped3A = tpu.sem_alloc : memref<!tpu.dma_semaphore, #tpu.memory_space<semaphore_mem>>
      %dma_start3A_283 = tpu.memref_slice %arg4[%mul3A_282] : memref<1024xf32, #tpu.memory_space<hbm>> -> memref<32xf32, #tpu.memory_space<hbm>>
      %dma_start3A_284 = tpu.memref_slice %arg4[%mul3A_282] : memref<1024xf32, #tpu.memory_space<hbm>> -> memref<32xf32, #tpu.memory_space<hbm>>
      tpu.enqueue_dma source(%arg7 : memref<32xf32, #tpu.memory_space<vmem>>) target(%dma_start3A_284 : memref<32xf32, #tpu.memory_space<hbm>>) target_semaphore(%run_scoped3A : memref<!tpu.dma_semaphore, #tpu.memory_space<semaphore_mem>>)
      %dma_wait3A = tpu.memref_slice %arg4[%mul3A_282] : memref<1024xf32, #tpu.memory_space<hbm>> -> memref<32xf32, #tpu.memory_space<hbm>>
      %dma_wait3A_285 = tpu.memref_slice %arg4[%mul3A_282] : memref<1024xf32, #tpu.memory_space<hbm>> -> memref<32xf32, #tpu.memory_space<hbm>>
      tpu.wait_dma2 semaphore(%run_scoped3A : memref<!tpu.dma_semaphore, #tpu.memory_space<semaphore_mem>>) src(%arg7 : memref<32xf32, #tpu.memory_space<vmem>>) dst(%dma_wait3A_285 : memref<32xf32, #tpu.memory_space<hbm>>)
      tpu.yield
    }) : () -> ()
    return
  }
}

module attributes {stable_mosaic.version = 14 : i64} {
  func.func @_fuse_r8_kernel(%arg0: memref<1000x128xf32, #tpu.memory_space<vmem>>, %arg1: memref<128x1xf32, #tpu.memory_space<vmem>>, %arg2: memref<1x1xf32, #tpu.memory_space<vmem>>, %arg3: memref<1000x16xf32, #tpu.memory_space<vmem>>) attributes {dimension_semantics = [], scalar_prefetch = 0 : i64, scratch_operands = 0 : i64, tpu.core_type = #tpu.core_type<tc>} {
    %get3A = arith.constant 0 : index
    %get3A_0 = arith.constant 0 : index
    %get3A_1 = vector.load %arg0[%get3A, %get3A_0] : memref<1000x128xf32, #tpu.memory_space<vmem>>, vector<1000x128xf32>
    %get3A_2 = arith.constant 0 : index
    %get3A_3 = arith.constant 0 : index
    %get3A_4 = vector.load %arg1[%get3A_2, %get3A_3] : memref<128x1xf32, #tpu.memory_space<vmem>>, vector<128x1xf32>
    %dot_general3A = arith.constant dense<0.000000e+00> : vector<1000x1xf32>
    %dot_general3A_5 = tpu.matmul %get3A_1, %get3A_4, %dot_general3A {dimension_numbers = #tpu.dot_dimension_numbers<[1], [0], [0], [1], [0, 0, 1, 1], [], []>, transpose_lhs_hint = false} : vector<1000x128xf32>, vector<128x1xf32>, vector<1000x1xf32> -> vector<1000x1xf32>
    %get3A_6 = arith.constant 0 : index
    %get3A_7 = arith.constant 0 : index
    %get3A_8 = vector.load %arg2[%get3A_6, %get3A_7] : memref<1x1xf32, #tpu.memory_space<vmem>>, vector<1x1xf32>
    %add3A = vector.broadcast %get3A_8 : vector<1x1xf32> to vector<1000x1xf32>
    %add3A_9 = arith.addf %dot_general3A_5, %add3A : vector<1000x1xf32>
    %broadcast_in_dim3A = vector.shape_cast %add3A_9 : vector<1000x1xf32> to vector<1000x1xf32>
    %broadcast_in_dim3A_10 = vector.broadcast %broadcast_in_dim3A : vector<1000x1xf32> to vector<1000x16xf32>
    %swap3A = arith.constant 0 : index
    %swap3A_11 = arith.constant 0 : index
    %swap3A_12 = vector.load %arg3[%swap3A, %swap3A_11] : memref<1000x16xf32, #tpu.memory_space<vmem>>, vector<1000x16xf32>
    tpu.vector_store %arg3[%swap3A, %swap3A_11], %broadcast_in_dim3A_10 {strides = array<i32>} : memref<1000x16xf32, #tpu.memory_space<vmem>>, vector<1000x16xf32>,
    return
  }
}

module attributes {stable_mosaic.version = 14 : i64} {
  func.func @_logits_kernel(%arg0: i32, %arg1: memref<8x50xi32, #tpu.memory_space<vmem>>, %arg2: memref<1000x128xf32, #tpu.memory_space<vmem>>, %arg3: memref<128x1000xf32, #tpu.memory_space<vmem>>, %arg4: memref<1x1x1000xf32, #tpu.memory_space<vmem>>, %arg5: memref<8x50x1000xf32, #tpu.memory_space<vmem>>) attributes {dimension_semantics = [#tpu.dimension_semantics<arbitrary>], iteration_bounds = array<i64: 128>, scalar_prefetch = 0 : i64, scratch_operands = 0 : i64, tpu.core_type = #tpu.core_type<tc>, window_params = [{transform_indices = @transform_0, window_bounds = array<i64: 8, 50>}, {pipeline_mode = #tpu.pipeline_mode<synchronous>, transform_indices = @transform_1, window_bounds = array<i64: 1000, 128>}, {pipeline_mode = #tpu.pipeline_mode<synchronous>, transform_indices = @transform_2, window_bounds = array<i64: 128, 1000>}, {pipeline_mode = #tpu.pipeline_mode<synchronous>, transform_indices = @transform_3, window_bounds = array<i64: 1, 1, 1000>}, {transform_indices = @transform_4, window_bounds = array<i64: 8, 50, 1000>}]} {
    %get3A = arith.constant 0 : index
    %get3A_0 = arith.constant 0 : index
    %get3A_1 = vector.load %arg1[%get3A, %get3A_0] : memref<8x50xi32, #tpu.memory_space<vmem>>, vector<8x50xi32>
    %broadcast_in_dim3A = vector.shape_cast %get3A_1 : vector<8x50xi32> to vector<8x50x1xi32>
    %iota3A = tpu.iota {dimensions = array<i32: 2>} : vector<8x50x1000xi32>
    %eq3A = vector.broadcast %broadcast_in_dim3A : vector<8x50x1xi32> to vector<8x50x1000xi32>
    %eq3A_2 = arith.cmpi eq, %eq3A, %iota3A : vector<8x50x1000xi32>
    %convert_element_type3A = arith.extui %eq3A_2 : vector<8x50x1000xi1> to vector<8x50x1000xi32>
    %convert_element_type3A_3 = arith.sitofp %convert_element_type3A : vector<8x50x1000xi32> to vector<8x50x1000xf32>
    %get3A_4 = arith.constant 0 : index
    %get3A_5 = arith.constant 0 : index
    %get3A_6 = vector.load %arg2[%get3A_4, %get3A_5] : memref<1000x128xf32, #tpu.memory_space<vmem>>, vector<1000x128xf32>
    %dot_general3A = arith.constant dense<0.000000e+00> : vector<8x50x128xf32>
    %dot_general3A_7 = tpu.matmul %convert_element_type3A_3, %get3A_6, %dot_general3A {dimension_numbers = #tpu.dot_dimension_numbers<[2], [0], [0, 1], [1], [0, 0, 0, 1, 1, 1], [], []>, transpose_lhs_hint = false} : vector<8x50x1000xf32>, vector<1000x128xf32>, vector<8x50x128xf32> -> vector<8x50x128xf32>
    %get3A_8 = arith.constant 0 : index
    %get3A_9 = arith.constant 0 : index
    %get3A_10 = vector.load %arg3[%get3A_8, %get3A_9] : memref<128x1000xf32, #tpu.memory_space<vmem>>, vector<128x1000xf32>
    %dot_general3A_11 = arith.constant dense<0.000000e+00> : vector<8x50x1000xf32>
    %dot_general3A_12 = tpu.matmul %dot_general3A_7, %get3A_10, %dot_general3A_11 {dimension_numbers = #tpu.dot_dimension_numbers<[2], [0], [0, 1], [1], [0, 0, 0, 1, 1, 1], [], []>, transpose_lhs_hint = false} : vector<8x50x128xf32>, vector<128x1000xf32>, vector<8x50x1000xf32> -> vector<8x50x1000xf32>
    %get3A_13 = arith.constant 0 : index
    %get3A_14 = arith.constant 0 : index
    %get3A_15 = arith.constant 0 : index
    %get3A_16 = vector.load %arg4[%get3A_13, %get3A_14, %get3A_15] : memref<1x1x1000xf32, #tpu.memory_space<vmem>>, vector<1x1x1000xf32>
    %add3A = vector.broadcast %get3A_16 : vector<1x1x1000xf32> to vector<8x50x1000xf32>
    %add3A_17 = arith.addf %dot_general3A_12, %add3A : vector<8x50x1000xf32>
    %swap3A = arith.constant 0 : index
    %swap3A_18 = arith.constant 0 : index
    %swap3A_19 = arith.constant 0 : index
    %swap3A_20 = vector.load %arg5[%swap3A, %swap3A_18, %swap3A_19] : memref<8x50x1000xf32, #tpu.memory_space<vmem>>, vector<8x50x1000xf32>
    tpu.vector_store %arg5[%swap3A, %swap3A_18, %swap3A_19], %add3A_17 {strides = array<i32>} : memref<8x50x1000xf32, #tpu.memory_space<vmem>>, vector<8x50x1000xf32>,
    return
  }
  func.func @transform_0(%arg0: i32) -> (i32, i32) {
    %c0_i32 = arith.constant 0 : i32
    %c0_i32_0 = arith.constant 0 : i32
    return %arg0, %c0_i32 : i32, i32
  }
  func.func @transform_1(%arg0: i32) -> (i32, i32) {
    %c0_i32 = arith.constant 0 : i32
    %c0_i32_0 = arith.constant 0 : i32
    %c0_i32_1 = arith.constant 0 : i32
    return %c0_i32, %c0_i32_0 : i32, i32
  }
  func.func @transform_2(%arg0: i32) -> (i32, i32) {
    %c0_i32 = arith.constant 0 : i32
    %c0_i32_0 = arith.constant 0 : i32
    %c0_i32_1 = arith.constant 0 : i32
    return %c0_i32, %c0_i32_0 : i32, i32
  }
  func.func @transform_3(%arg0: i32) -> (i32, i32, i32) {
    %c0_i32 = arith.constant 0 : i32
    %c0_i32_0 = arith.constant 0 : i32
    %c0_i32_1 = arith.constant 0 : i32
    %c0_i32_2 = arith.constant 0 : i32
    return %c0_i32, %c0_i32_0, %c0_i32_1 : i32, i32, i32
  }
  func.func @transform_4(%arg0: i32) -> (i32, i32, i32) {
    %c0_i32 = arith.constant 0 : i32
    %c0_i32_0 = arith.constant 0 : i32
    %c0_i32_1 = arith.constant 0 : i32
    return %arg0, %c0_i32, %c0_i32_0 : i32, i32, i32
  }
}

</mosaic_0001>

<sc_bundles>
// kernel: kernel.5.cloned.1.call-start
scs
__scs_entry_jumppad:
0x0: {  	(pc) =	sbr.rel $0x88, $3  }
0x1: {  	(tag) =	ssettag $0x0;
	lr =	simm.s32 $0x1  }
0x2: {  	[smem:$0x3F9B] =	sst lr;
	_ =	strace $0xD0000000  }
0x3: {  	_ = 	snop  }
0x4: {  	_ = 	snop  }
0x5: {  	_ = 	snop  }
0x6: {  	_ = 	snop  }
0x7: {  	_ = 	snop  }
__scs_overlays_trampoline_lowered:
0x8: {  	[smem:$0x3FAA] =	sst s0  }
0x9: {  	[smem:$0x3FAB] =	sst s1  }
0xa: {  	[smem:$0x3FAC] =	sst s2  }
0xb: {  	[smem:$0x3FAD] =	sst s3  }
0xc: {  	[smem:$0x3FAE] =	sst s4  }
0xd: {  	[smem:$0x3FAF] =	sst s5  }
0xe: {  	[smem:$0x3FB0] =	sst s6  }
0xf: {  	[smem:$0x3FB1] =	sst s7  }
0x10: {  	[smem:$0x3FB2] =	sst s8  }
0x11: {  	[smem:$0x3FB3] =	sst s9;
	s0 =	simm.s32 @!p0 $0x0  }
0x12: {  	s1 =	sld [smem:$0x3F99];
	s0 =	simm.s32 @p0 $0x1  }
0x13: {  	[smem:$0x3FB4] =	sst s0;
	s0 =	simm.s32 @!p1 $0x0  }
0x14: {  	s2 =	sld [smem:$0x3F98];
	s0 =	simm.s32 @p1 $0x1  }
0x15: {  	[smem:$0x3FB5] =	sst s0;
	s0 =	simm.s32 @!p2 $0x0  }
0x16: {  	s3 =	sld [smem:$0x3FDB];
	s0 =	simm.s32 @p2 $0x1  }
0x17: {  	s4 =	simm.s32 $0x1BF5;
	[smem:$0x3FB7] =	sst s0  }
0x18: {  	s0 =	sld [smem:$0x3F9A];
	_ =	swait.ge [sflag:s4], $0x0  }
0x19: {  	s7 =	sld [smem:$0x3F9B]  }
0x1a: {  	s8 =	sadd.s32 $0xFFFFE003, lr  }
0x1b: {  	s9 =	sadd.s32 $0xFFFFFEF7, lr;
	s5 =	simm.s32 $0xFFFFFFFF;
	p2 =	slt.u32 s8, $0xFFFFF086  }
0x1c: {  	p1 =	slt.u32 s9, $0xF7A;
	s5 =	simm.s32 @!p2 $0x0  }
0x1d: {  	s5 =	simm.s32 @p1 $0x1;
	p0 =	seq.s32 s7, s2  }
0x1e: {  	s7 =	smul.u32 @!p0 $0xF7A, s2;
	p2 =	seq.s32 @!p0 s5, $0x0  }
0x1f: {  	s9 =	smul.u32 $0xF7A, s1;
	s8 =	simm.s32 @!p0 $0x1BF5;
	p2 =	por !p2, p0  }
0x20: {  	[sflag:s8] =	ssyncset.s32 @!p0 $0xFFFFF086;
	s6 =	sadd.s32 @!p0 s3, s7;
	s7 =	simm.s32 @!p0 $0x108  }
0x21: {  	s3 =	sadd.s32 s3, s9;
	s6 =	sadd.s32 @!p0 $0x88, s6;
	s7 =	simm.s32 @p2 $0x1082  }
0x22: {  	[simem:s7], [sflag:s8] =	dma.local @!p0 [hbm:s6], $0xF7A  }
0x23: {  	s9 =	sor.u32 $0xD0000000, s2;
	s6 =	simm.s32 $0x108;
	_ =	swait.ge @!p0 [sflag:s8], $0x0  }
0x24: {  	s3 =	sadd.s32 $0x88, s3;
	s6 =	simm.s32 @!p1 $0x1082;
	[sflag:s4] =	ssyncset.s32 $0xFFFFF086  }
0x25: {  	[simem:s6], [sflag:s4] =	dma.local [hbm:s3], $0xF7A  }
0x26: {  	[smem:$0x3F9B] =	sst s1;
	(tag) =	ssettag s2;
	_ =	strace s9  }
0x27: {  	s1 =	sld [smem:$0x3FAB]  }
0x28: {  	s2 =	sld [smem:$0x3FAC]  }
0x29: {  	s4 =	sld [smem:$0x3FAE]  }
0x2a: {  	p0 =	seq.s32 s5, $0x0;
	s5 =	sld [smem:$0x3FAF]  }
0x2b: {  	s6 =	sld [smem:$0x3FB0]  }
0x2c: {  	s7 =	sld [smem:$0x3FB1]  }
0x2d: {  	s3 =	simm.s32 $0x108;
	s8 =	sld [smem:$0x3FB2]  }
0x2e: {  	s3 =	simm.s32 @!p0 $0x1082;
	s9 =	sld [smem:$0x3FB3]  }
0x2f: {  	lr =	sadd.s32 s0, s3;
	s0 =	sld [smem:$0x3FAA]  }
0x30: {  	s3 =	sld [smem:$0x3FAD]  }
0x31: {  	[smem:$0x3FB6] =	sst s10  }
0x32: {  	s10 =	sld [smem:$0x3FB4];
	_ =	sdelay $0x3  }
0x33: {  	p0 =	seq.s32 s10, $0x1;
	s10 =	sld [smem:$0x3FB6];
	_ =	sdelay $0x3  }
0x34: {  	[smem:$0x3FB6] =	sst s10  }
0x35: {  	s10 =	sld [smem:$0x3FB5];
	_ =	sdelay $0x3  }
0x36: {  	p1 =	seq.s32 s10, $0x1;
	s10 =	sld [smem:$0x3FB6];
	_ =	sdelay $0x3  }
0x37: {  	[smem:$0x3FB6] =	sst s10  }
0x38: {  	s10 =	sld [smem:$0x3FB7]  }
0x39: {  	_ = 	snop;
	(pc) =	sbr.ind lr, $3  }
0x3a: {  	_ = 	snop  }
0x3b: {  	_ = 	snop  }
0x3c: {  	p2 =	seq.s32 s10, $0x1;
	s10 =	sld [smem:$0x3FB6]  }
0x3d: {  	_ =	shalt  }
0x3e: {  	_ =	shalt  }
0x3f: {  	_ =	shalt  }
0x40: {  	_ =	shalt  }
0x41: {  	_ =	shalt  }
0x42: {  	_ =	shalt  }
0x43: {  	_ =	shalt  }
0x44: {  	_ =	shalt  }
0x45: {  	_ =	shalt  }
0x46: {  	_ =	shalt  }
0x47: {  	_ =	shalt  }
0x48: {  	_ =	shalt  }
0x49: {  	_ =	shalt  }
0x4a: {  	_ =	shalt  }
0x4b: {  	_ =	shalt  }
0x4c: {  	_ =	shalt  }
0x4d: {  	_ =	shalt  }
0x4e: {  	_ =	shalt  }
0x4f: {  	_ =	shalt  }
0x50: {  	_ =	shalt  }
0x51: {  	_ =	shalt  }
0x52: {  	_ =	shalt  }
0x53: {  	_ =	shalt  }
0x54: {  	_ =	shalt  }
0x55: {  	_ =	shalt  }
0x56: {  	_ =	shalt  }
0x57: {  	_ =	shalt  }
0x58: {  	_ =	shalt  }
0x59: {  	_ =	shalt  }
0x5a: {  	_ =	shalt  }
0x5b: {  	_ =	shalt  }
0x5c: {  	_ =	shalt  }
0x5d: {  	_ =	shalt  }
0x5e: {  	_ =	shalt  }
0x5f: {  	_ =	shalt  }
0x60: {  	_ =	shalt  }
0x61: {  	_ =	shalt  }
0x62: {  	_ =	shalt  }
0x63: {  	_ =	shalt  }
0x64: {  	_ =	shalt  }
0x65: {  	_ =	shalt  }
0x66: {  	_ =	shalt  }
0x67: {  	_ =	shalt  }
0x68: {  	_ =	shalt  }
0x69: {  	_ =	shalt  }
0x6a: {  	_ =	shalt  }
0x6b: {  	_ =	shalt  }
0x6c: {  	_ =	shalt  }
0x6d: {  	_ =	shalt  }
0x6e: {  	_ =	shalt  }
0x6f: {  	_ =	shalt  }
0x70: {  	_ =	shalt  }
0x71: {  	_ =	shalt  }
0x72: {  	_ =	shalt  }
0x73: {  	_ =	shalt  }
0x74: {  	_ =	shalt  }
0x75: {  	_ =	shalt  }
0x76: {  	_ =	shalt  }
0x77: {  	_ =	shalt  }
0x78: {  	_ =	shalt  }
0x79: {  	_ =	shalt  }
0x7a: {  	_ =	shalt  }
0x7b: {  	_ =	shalt  }
0x7c: {  	_ =	shalt  }
0x7d: {  	_ =	shalt  }
0x7e: {  	_ =	shalt  }
0x7f: {  	_ =	shalt  }
0x80: {  	_ =	shalt  }
0x81: {  	_ =	shalt  }
0x82: {  	_ =	shalt  }
0x83: {  	_ =	shalt  }
0x84: {  	_ =	shalt  }
0x85: {  	_ =	shalt  }
0x86: {  	_ =	shalt  }
0x87: {  	_ =	shalt  }
.Lfunc_end0:
.L_simem_size_0:
called_computation_lowered:
.L_overlay_start_0:
0x88: {  	s2 =	sld [smem:$0x3FD9]  }
0x89: {  	s3 =	sld [smem:$0x3FFE];
	_ =	sdelay $0x1  }
0x8a: {  	s1 =	srdreg.scid  }
0x8b: {  	s0 =	sand.u32 $0x1, s1  }
0x8c: {  	s14 =	sshll.u32 s0, $0xA;
	s2 =	sadd.s32 s3, s2  }
0x8d: {  	s2 =	sadd.s32 s2, s14  }
0x8e: {  	[smem:$0x3FC2] =	sst s2  }
0x8f: {  	_ = 	snop  }
0x90: {  	s2 =	sld [smem:$0x3FD0];
	_ =	sdelay $0x2  }
0x91: {  	s15 =	simm.s32 $0xA;
	s4 =	simm.s32 $0x10  }
0x92: {  	[smem:s4], [sflag:s15] =	dma.local [hbm:s2], $0x1  }
0x93: {  	_ =	swait.eq [sflag:s15], $0x1  }
0x94: {  	[sflag:s15] =	ssyncset.done $0x0  }
0x95: {  	[sflag:s15] =	ssyncadd.s32 $0xFFFFFFFF  }
0x96: {  	s16 =	sld [smem:$0x11];
	(tm) =	ssettm $0x1  }
0x97: {  	s17 =	sld [smem:$0x3FFB];
	_ =	sdelay $0x3  }
0x98: {  	_ =	strace s17  }
0x99: {  	s3 =	sld [smem:$0x3FFC];
	_ =	sdelay $0x3  }
0x9a: {  	_ =	strace s3  }
0x9b: {  	s3 =	sld [smem:$0x3FFD];
	_ =	sdelay $0x3  }
0x9c: {  	_ =	strace s3  }
0x9d: {  	_ =	strace $0x8FFFFFFF  }
0x9e: {  	s18 =	sld [smem:$0x3FDB];
	_ =	sdelay $0x1  }
0x9f: {  	s19 =	simm.s32 $_scs_section_size  }
0xa0: {  	s5 =	simm.s32 $_size__tile_overlayer_lowered;
	s6 =	simm.s32 $_tile_overlayer_lowered  }
0xa1: {  	s22 =	simm.s32 $0x1BFF;
	s21 =	sshll.u32 s6, $0x1;
	s3 =	sadd.s32 s19, s18  }
0xa2: {  	s7 =	simm.s32 $0x0;
	s20 =	sshll.u32 s5, $0x1;
	s5 =	sadd.s32 s21, s3  }
0xa3: {  	[timem:s7], [sflag:s22] =	dma.local [hbm:s5], s20  }
0xa4: {  	_ =	swait.ge [sflag:s22], s20  }
0xa5: {  	s4 =	ssub.s32 $0x0, s20;
	[sflag:s22] =	ssyncset.done $0x0  }
0xa6: {  	[sflag:s22] =	ssyncadd.s32 s4;
	_ =	sdelay $0x1  }
0xa7: {  	s23 =	simm.s32 $0x1B8B  }
0xa8: {  	_ =	swait.ge [sflag:s23], $0x1  }
0xa9: {  	[sflag:s23] =	ssyncset.done $0x0  }
0xaa: {  	s25 =	simm.s32 $0x1B8E;
	s24 =	sld [smem:$0x3FFE];
	[sflag:s23] =	ssyncadd.s32 $0xFFFFFFFF  }
0xab: {  	s26 =	simm.s32 $execute0_lowered;
	[smem:$0x3FD2] =	sst s25  }
0xac: {  	s5 =	sshll.u32 s26, $0x1;
	_ =	strace $0x80000046;
	[dreg:$0x1] =	wrdreg $0xFFFFFFFF  }
0xad: {  	s28 =	simm.s32 $_size_execute0_lowered;
	s3 =	sadd.s32 s3, s5;
	[dreg:$0x0] =	wrdreg $0x0  }
0xae: {  	s5 =	sshll.u32 s28, $0x1;
	[dreg:$0x2] =	wrdreg s3  }
0xaf: {  	[dreg:$0x3] =	wrdreg s5  }
0xb0: {  	[dreg:$0x4] =	wrdreg $0xC0  }
0xb1: {  	_ =	task [dreg:s7], $0x5FFFF  }
0xb2: {  	[dreg:$0x1] =	wrdreg $0xFFFFFFFF  }
0xb3: {  	[dreg:$0x0] =	wrdreg $0x60  }
0xb4: {  	[dreg:$0x2] =	wrdreg s24  }
0xb5: {  	[dreg:$0x3] =	wrdreg s16  }
0xb6: {  	[dreg:$0x4] =	wrdreg $0x9  }
0xb7: {  	_ =	task.clear_ibuf [dreg:s7], $0x5FFFF;
	_ =	strace $0x90000046  }
0xb8: {  	s29 =	simm.s32 $0x9;
	_ =	strace $0x80000048  }
0xb9: {  	_ =	swait.ge [sflag:s29], $0x1  }
0xba: {  	[sflag:s29] =	ssyncadd.s32 $0xFFFFFFFF  }
0xbb: {  	_ =	strace $0x90000048  }
0xbc: {  	_ =	sfence  }
0xbd: {  	s30 =	sld [smem:$0x0];
	_ =	sdelay $0x2  }
0xbe: {  	s31 =	sshll.u32 s1, $0xD;
	s1 =	sshrl.u32 s1, $0x2  }
0xbf: {  	s3 =	sand.u32 $0x4000, s31;
	s1 =	sadd.s32 s1, s30  }
0xc0: {  	s0 =	sor.u32 s3, s0;
	s1 =	sshll.u32 s1, $0x11  }
0xc1: {  	s0 =	sor.u32 s1, s0  }
0xc2: {  	s0 =	sadd.s32 $0x8F2B, s0  }
0xc3: {  	[sflag:s0] =	ssyncadd.remote.s32 $0x1  }
0xc4: {  	_ =	sfence.sel $0xFFFF  }
0xc5: {  	[dreg:$0x0] =	wrdreg $0xFFFFFFFF;
	(pc) =	sbr.abs _section_cstart, $3  }
0xc6: {  	[dreg:$0x1] =	wrdreg $0xFFFFFFFF  }
0xc7: {  	_ =	task.clear_ibuf [dreg:s7], $0x2FFFF;
	_ =	strace $0x9FFFFFFF  }
0xc8: {  	(tm) =	ssettm $0x7FFFFFFF  }
0xc9: {  	_ =	shalt  }
tec
execute0_lowered:
.L_overlay_start_1:
0x0: {  	(tag) =	ssettag $0x1  }
0x1: {  	s0 =	srdreg.scid;
	s4 =	rddreg [dreg:$0x0]  }
0x2: {  	s6 =	rddreg [dreg:$0x1];
	s30 =	stileid.u32  }
0x3: {  	s2 =	simm.s32 $0x0;
	s9 =	simm.s32 $0x640;
	s5 =	sand.u32 $0x1, s0  }
0x4: {  	s10 =	simm.s32 $0x1F40;
	s11 =	simm.s32 $0x1;
	s3 =	sshll.u32 s5, $0x4  }
0x5: {  	s12 =	simm.s32 $0x2;
	s13 =	simm.s32 $0x3840;
	s7 =	sor.u32 s30, s3  }
0x6: {  	vm0 =	vcmask $0x300;
	vm1 =	vcmask $0x704;
	vm2 =	vcmask $0xB08;
	s14 =	simm.s32 $0x0;
	[smem:$0x7FF] =	sst s2;
	s8 =	smul.u32 $0xC8, s7  }
0x7: {  	vm3 =	vcmask $0xF0C;
	vm4 =	vcmask $0x1310;
	vm5 =	vcmask $0x1714;
	_ =	strace $0x80000047;
	s5 =	ssub.s32 $0x2, s5;
	s3 =	sadd.s32 $0xA00, s4  }
0x8: {  	vm6 =	vcmask $0x1B18;
	vm7 =	vcmask $0x1F1C;
	vm8 =	vcmask $0x2320;
	s31 =	sshrl.u32 s5, $0x1;
	s7 =	sshll.u32 s7, $0x2;
	s4 =	sadd.s32 s8, s4  }
0x9: {  	vm9 =	vcmask $0x2724;
	vm10 =	vcmask $0x2B28;
	vm11 =	vcmask $0x2F2C;
	s8 =	ssub.s32 s5, s31;
	s5 =	sadd.s32 s6, s7;
	s7 =	simm.s32 $0x3  }
0xa: {  	vm12 =	vcmask $0x3330;
	vm13 =	vcmask $0x3734;
	vm14 =	vcmask $0x3B38;
	s4 =	sadd.s32 $0x1200, s4;
	s6 =	smax.u32 s8, $0x1;
	s8 =	simm.s32 $0x190  }
.LBB2_1:
0xb: {  	[tilespmem:s2], [sflag:$0x3] =	stream.linear.gather [hbm4b:s4+s2], $0x640, $0x38;
	[tilespmem:$0x3860] =	vst v63  }
0xc: {  	_ =	swait.ge [sflag:s7], $0x640  }
0xd: {  	[sflag:s7] =	ssyncset.done $0x0  }
0xe: {  	p1 =	por $0x1, $0x1;
	s16 =	simm.s32 $0x0;
	[sflag:s7] =	ssyncadd.s32 $0xFFFFF9C0  }
0xf: {  	[tilespmem:s9], [sflag:$0x1] =	stream.indirect.gather [hbm4b:s3+s8], $0x10, s2, s8, $0xb8;
	[tilespmem:$0x3860] =	vst v63  }
.LBB2_2:
0x10: {  	s15 =	sshllo.u32 s16, $0x1  }
0x11: {  	s17 =	smul.u32 $0x640, s15;
	_ =	sdelay $0x1  }
0x12: {  	s17 =	sshra.s32 s17, $0x2  }
0x13: {  	[tilespmem:s10], [sflag:$0x2] =	stream.indirect.gather [hbm4b:s3+s8], $0x10, s17, s8, $0xb8;
	[tilespmem:$0x3860] =	vst v63  }
0x14: {  	_ =	swait.ge [sflag:s11], $0x1900  }
0x15: {  	[sflag:s11] =	ssyncset.done $0x0  }
0x16: {  	s30 =	simm.s32 $0x0;
	[sflag:s11] =	ssyncadd.s32 $0xFFFFE700  }
0x17: {  	s31 =	simm.s32 $0x10;
	v0 =	vld [tilespmem:s30+$0x640]  }
0x18: {  	v1 =	vld [tilespmem:s31+$0x640];
	_ =	sdelay $0x3  }
0x19: {  	(v2sf) =	vpush v0, $0x0  }
0x1a: {  	(v2sf) =	vpush v1, $0x0;
	_ =	sdelay $0x4  }
0x1b: {  	s19 =	simm.s32 $0x20  }
0x1c: {  	v0 =	vld [tilespmem:s19+$0x640];
	_ =	sdelay $0x2  }
0x1d: {  	p0 =	por p1, p1;
	s18 =	simm.s32 $0xC0;
	s17 =	simm.f32 $0.0e+00  }
.LBB2_3:
0x1e: {  	p1 =	sne.s32 s18, $0xC40  }
.Ltmp0:
0x1f: {  	s19 =	sshra.s32 s18, $0x2;
	s18 =	sadd.s32 $0x40, s18;
	(v2sf) =	vpush v0, $0x0;
	(pc) =	sbr.rel @p1 .LBB2_3-.Ltmp0, $3  }
0x20: {  	v0 =	vld [tilespmem:s19+$0x640];
	_ =	sdelay $0x1  }
0x21: {  	s19 =	spop (v2sf)  }
0x22: {  	s17 =	sadd.f32 s19, s17  }
0x23: {  	_ = 	snop  }
0x24: {  	(v2sf) =	vpush v0, $0x0;
	_ =	sdelay $0x3  }
0x25: {  	s19 =	simm.s32 $0x0  }
0x26: {  	s29 =	simm.s32 $0x10;
	v0 =	vld [tilespmem:s19+$0x960]  }
0x27: {  	v1 =	vld [tilespmem:s29+$0x960];
	_ =	sdelay $0x3  }
0x28: {  	s18 =	spop (v2sf);
	(v2sf) =	vpush v0, $0x0  }
0x29: {  	s28 =	spop (v2sf);
	(v2sf) =	vpush v1, $0x0  }
0x2a: {  	s17 =	sadd.f32 s18, s17;
	_ =	sdelay $0x1  }
0x2b: {  	s17 =	sadd.f32 s28, s17  }
0x2c: {  	s30 =	spop (v2sf)  }
0x2d: {  	s31 =	simm.s32 $0x20;
	s17 =	sadd.f32 s30, s17  }
0x2e: {  	v0 =	vld [tilespmem:s31+$0x960]  }
0x2f: {  	s16 =	sshll.u32 s16, $0x4;
	s17 =	smul.f32 $1.999999960e-02, s17  }
0x30: {  	s16 =	sand.u32 $0x3FFFFFF0, s16  }
0x31: {  	s18 =	simm.s32 $0xC0;
	[smem:s16] =	sst s17;
	s17 =	simm.f32 $0.0e+00  }
.LBB2_5:
0x32: {  	p1 =	sne.s32 s18, $0xC40  }
.Ltmp1:
0x33: {  	s19 =	sshra.s32 s18, $0x2;
	s18 =	sadd.s32 $0x40, s18;
	(v2sf) =	vpush v0, $0x0;
	(pc) =	sbr.rel @p1 .LBB2_5-.Ltmp1, $3  }
0x34: {  	v0 =	vld [tilespmem:s19+$0x960];
	_ =	sdelay $0x1  }
0x35: {  	s19 =	spop (v2sf)  }
0x36: {  	s17 =	sadd.f32 s19, s17  }
0x37: {  	_ = 	snop  }
0x38: {  	(v2sf) =	vpush v0, $0x0;
	_ =	sdelay $0x3  }
0x39: {  	s19 =	simm.s32 $0x0  }
0x3a: {  	s28 =	simm.s32 $0x10;
	v0 =	vld [tilespmem:s19+$0xC80]  }
0x3b: {  	v1 =	vld [tilespmem:s28+$0xC80];
	_ =	sdelay $0x3  }
0x3c: {  	s18 =	spop (v2sf);
	(v2sf) =	vpush v0, $0x0  }
0x3d: {  	s26 =	spop (v2sf);
	(v2sf) =	vpush v1, $0x0  }
0x3e: {  	s17 =	sadd.f32 s18, s17;
	_ =	sdelay $0x1  }
0x3f: {  	s17 =	sadd.f32 s26, s17  }
0x40: {  	s29 =	spop (v2sf)  }
0x41: {  	s31 =	simm.s32 $0x20;
	s17 =	sadd.f32 s29, s17  }
0x42: {  	v0 =	vld [tilespmem:s31+$0xC80]  }
0x43: {  	s17 =	smul.f32 $1.999999960e-02, s17  }
0x44: {  	s30 =	sadd.s32 $0x1, s16  }
0x45: {  	s18 =	simm.s32 $0xC0;
	[smem:s30] =	sst s17;
	s17 =	simm.f32 $0.0e+00  }
.LBB2_7:
0x46: {  	p1 =	sne.s32 s18, $0xC40  }
.Ltmp2:
0x47: {  	s19 =	sshra.s32 s18, $0x2;
	s18 =	sadd.s32 $0x40, s18;
	(v2sf) =	vpush v0, $0x0;
	(pc) =	sbr.rel @p1 .LBB2_7-.Ltmp2, $3  }
0x48: {  	v0 =	vld [tilespmem:s19+$0xC80];
	_ =	sdelay $0x1  }
0x49: {  	s19 =	spop (v2sf)  }
0x4a: {  	s17 =	sadd.f32 s19, s17  }
0x4b: {  	_ = 	snop  }
0x4c: {  	(v2sf) =	vpush v0, $0x0;
	_ =	sdelay $0x3  }
0x4d: {  	s19 =	simm.s32 $0x0  }
0x4e: {  	s28 =	simm.s32 $0x10;
	v0 =	vld [tilespmem:s19+$0xFA0]  }
0x4f: {  	v1 =	vld [tilespmem:s28+$0xFA0];
	_ =	sdelay $0x3  }
0x50: {  	s18 =	spop (v2sf);
	(v2sf) =	vpush v0, $0x0  }
0x51: {  	s26 =	spop (v2sf);
	(v2sf) =	vpush v1, $0x0  }
0x52: {  	s17 =	sadd.f32 s18, s17;
	_ =	sdelay $0x1  }
0x53: {  	s17 =	sadd.f32 s26, s17  }
0x54: {  	s29 =	spop (v2sf)  }
0x55: {  	s31 =	simm.s32 $0x20;
	s17 =	sadd.f32 s29, s17  }
0x56: {  	v0 =	vld [tilespmem:s31+$0xFA0]  }
0x57: {  	s17 =	smul.f32 $1.999999960e-02, s17  }
0x58: {  	s30 =	sadd.s32 $0x2, s16  }
0x59: {  	s18 =	simm.s32 $0xC0;
	[smem:s30] =	sst s17;
	s17 =	simm.f32 $0.0e+00  }
.LBB2_9:
0x5a: {  	p1 =	sne.s32 s18, $0xC40  }
.Ltmp3:
0x5b: {  	s19 =	sshra.s32 s18, $0x2;
	s18 =	sadd.s32 $0x40, s18;
	(v2sf) =	vpush v0, $0x0;
	(pc) =	sbr.rel @p1 .LBB2_9-.Ltmp3, $3  }
0x5c: {  	v0 =	vld [tilespmem:s19+$0xFA0];
	_ =	sdelay $0x1  }
0x5d: {  	s19 =	spop (v2sf)  }
0x5e: {  	s17 =	sadd.f32 s19, s17  }
0x5f: {  	_ = 	snop  }
0x60: {  	(v2sf) =	vpush v0, $0x0;
	_ =	sdelay $0x3  }
0x61: {  	s19 =	simm.s32 $0x0  }
0x62: {  	s28 =	simm.s32 $0x10;
	v0 =	vld [tilespmem:s19+$0x12C0]  }
0x63: {  	v1 =	vld [tilespmem:s28+$0x12C0];
	_ =	sdelay $0x3  }
0x64: {  	s18 =	spop (v2sf);
	(v2sf) =	vpush v0, $0x0  }
0x65: {  	s26 =	spop (v2sf);
	(v2sf) =	vpush v1, $0x0  }
0x66: {  	s17 =	sadd.f32 s18, s17;
	_ =	sdelay $0x1  }
0x67: {  	s17 =	sadd.f32 s26, s17  }
0x68: {  	s29 =	spop (v2sf)  }
0x69: {  	s31 =	simm.s32 $0x20;
	s17 =	sadd.f32 s29, s17  }
0x6a: {  	v0 =	vld [tilespmem:s31+$0x12C0]  }
0x6b: {  	s17 =	smul.f32 $1.999999960e-02, s17  }
0x6c: {  	s30 =	sadd.s32 $0x3, s16  }
0x6d: {  	s18 =	simm.s32 $0xC0;
	[smem:s30] =	sst s17;
	s17 =	simm.f32 $0.0e+00  }
.LBB2_11:
0x6e: {  	p1 =	sne.s32 s18, $0xC40  }
.Ltmp4:
0x6f: {  	s19 =	sshra.s32 s18, $0x2;
	s18 =	sadd.s32 $0x40, s18;
	(v2sf) =	vpush v0, $0x0;
	(pc) =	sbr.rel @p1 .LBB2_11-.Ltmp4, $3  }
0x70: {  	v0 =	vld [tilespmem:s19+$0x12C0];
	_ =	sdelay $0x1  }
0x71: {  	s19 =	spop (v2sf)  }
0x72: {  	s17 =	sadd.f32 s19, s17  }
0x73: {  	_ = 	snop  }
0x74: {  	(v2sf) =	vpush v0, $0x0;
	_ =	sdelay $0x3  }
0x75: {  	s19 =	simm.s32 $0x0  }
0x76: {  	s28 =	simm.s32 $0x10;
	v0 =	vld [tilespmem:s19+$0x15E0]  }
0x77: {  	v1 =	vld [tilespmem:s28+$0x15E0];
	_ =	sdelay $0x3  }
0x78: {  	s18 =	spop (v2sf);
	(v2sf) =	vpush v0, $0x0  }
0x79: {  	s26 =	spop (v2sf);
	(v2sf) =	vpush v1, $0x0  }
0x7a: {  	s17 =	sadd.f32 s18, s17;
	_ =	sdelay $0x1  }
0x7b: {  	s17 =	sadd.f32 s26, s17  }
0x7c: {  	s29 =	spop (v2sf)  }
0x7d: {  	s31 =	simm.s32 $0x20;
	s17 =	sadd.f32 s29, s17  }
0x7e: {  	v0 =	vld [tilespmem:s31+$0x15E0]  }
0x7f: {  	s17 =	smul.f32 $1.999999960e-02, s17  }
0x80: {  	s30 =	sadd.s32 $0x4, s16  }
0x81: {  	s18 =	simm.s32 $0xC0;
	[smem:s30] =	sst s17;
	s17 =	simm.f32 $0.0e+00  }
.LBB2_13:
0x82: {  	p1 =	sne.s32 s18, $0xC40  }
.Ltmp5:
0x83: {  	s19 =	sshra.s32 s18, $0x2;
	s18 =	sadd.s32 $0x40, s18;
	(v2sf) =	vpush v0, $0x0;
	(pc) =	sbr.rel @p1 .LBB2_13-.Ltmp5, $3  }
0x84: {  	v0 =	vld [tilespmem:s19+$0x15E0];
	_ =	sdelay $0x1  }
0x85: {  	s19 =	spop (v2sf)  }
0x86: {  	s17 =	sadd.f32 s19, s17  }
0x87: {  	_ = 	snop  }
0x88: {  	(v2sf) =	vpush v0, $0x0;
	_ =	sdelay $0x3  }
0x89: {  	s19 =	simm.s32 $0x0  }
0x8a: {  	s28 =	simm.s32 $0x10;
	v0 =	vld [tilespmem:s19+$0x1900]  }
0x8b: {  	v1 =	vld [tilespmem:s28+$0x1900];
	_ =	sdelay $0x3  }
0x8c: {  	s18 =	spop (v2sf);
	(v2sf) =	vpush v0, $0x0  }
0x8d: {  	s26 =	spop (v2sf);
	(v2sf) =	vpush v1, $0x0  }
0x8e: {  	s17 =	sadd.f32 s18, s17;
	_ =	sdelay $0x1  }
0x8f: {  	s17 =	sadd.f32 s26, s17  }
0x90: {  	s29 =	spop (v2sf)  }
0x91: {  	s31 =	simm.s32 $0x20;
	s17 =	sadd.f32 s29, s17  }
0x92: {  	v0 =	vld [tilespmem:s31+$0x1900]  }
0x93: {  	s17 =	smul.f32 $1.999999960e-02, s17  }
0x94: {  	s30 =	sadd.s32 $0x5, s16  }
0x95: {  	s18 =	simm.s32 $0xC0;
	[smem:s30] =	sst s17;
	s17 =	simm.f32 $0.0e+00  }
.LBB2_15:
0x96: {  	p1 =	sne.s32 s18, $0xC40  }
.Ltmp6:
0x97: {  	s19 =	sshra.s32 s18, $0x2;
	s18 =	sadd.s32 $0x40, s18;
	(v2sf) =	vpush v0, $0x0;
	(pc) =	sbr.rel @p1 .LBB2_15-.Ltmp6, $3  }
0x98: {  	v0 =	vld [tilespmem:s19+$0x1900];
	_ =	sdelay $0x1  }
0x99: {  	s19 =	spop (v2sf)  }
0x9a: {  	s17 =	sadd.f32 s19, s17  }
0x9b: {  	_ = 	snop  }
0x9c: {  	(v2sf) =	vpush v0, $0x0;
	_ =	sdelay $0x3  }
0x9d: {  	s19 =	simm.s32 $0x0  }
0x9e: {  	s28 =	simm.s32 $0x10;
	v0 =	vld [tilespmem:s19+$0x1C20]  }
0x9f: {  	v1 =	vld [tilespmem:s28+$0x1C20];
	_ =	sdelay $0x3  }
0xa0: {  	s18 =	spop (v2sf);
	(v2sf) =	vpush v0, $0x0  }
0xa1: {  	s26 =	spop (v2sf);
	(v2sf) =	vpush v1, $0x0  }
0xa2: {  	s17 =	sadd.f32 s18, s17;
	_ =	sdelay $0x1  }
0xa3: {  	s17 =	sadd.f32 s26, s17  }
0xa4: {  	s29 =	spop (v2sf)  }
0xa5: {  	s31 =	simm.s32 $0x20;
	s17 =	sadd.f32 s29, s17  }
0xa6: {  	v0 =	vld [tilespmem:s31+$0x1C20]  }
0xa7: {  	s17 =	smul.f32 $1.999999960e-02, s17  }
0xa8: {  	s30 =	sadd.s32 $0x6, s16  }
0xa9: {  	s18 =	simm.s32 $0xC0;
	[smem:s30] =	sst s17;
	s17 =	simm.f32 $0.0e+00  }
.LBB2_17:
0xaa: {  	p1 =	sne.s32 s18, $0xC40  }
.Ltmp7:
0xab: {  	s19 =	sshra.s32 s18, $0x2;
	s18 =	sadd.s32 $0x40, s18;
	(v2sf) =	vpush v0, $0x0;
	(pc) =	sbr.rel @p1 .LBB2_17-.Ltmp7, $3  }
0xac: {  	v0 =	vld [tilespmem:s19+$0x1C20];
	_ =	sdelay $0x1  }
0xad: {  	s19 =	spop (v2sf)  }
0xae: {  	s17 =	sadd.f32 s19, s17  }
0xaf: {  	_ = 	snop  }
0xb0: {  	(v2sf) =	vpush v0, $0x0;
	_ =	sdelay $0xa  }
0xb1: {  	s18 =	spop (v2sf)  }
0xb2: {  	s17 =	sadd.f32 s18, s17  }
0xb3: {  	s26 =	spop (v2sf)  }
0xb4: {  	s17 =	sadd.f32 s26, s17  }
0xb5: {  	s28 =	spop (v2sf)  }
0xb6: {  	s17 =	sadd.f32 s28, s17;
	_ =	sdelay $0x1  }
0xb7: {  	s17 =	smul.f32 $1.999999960e-02, s17  }
0xb8: {  	s16 =	sadd.s32 $0x7, s16;
	s18 =	simm.s32 @p0 $0x640  }
0xb9: {  	[smem:s16] =	sst s17;
	s16 =	simm.s32 @p0 $0x190;
	s17 =	simm.s32 @p0 $0x320  }
0xba: {  	[tilespmem:s18], [sflag:$0x1] =	stream.indirect.gather @p0 [hbm4b:s3+s16], $0x10, s17, s16, $0xb8;
	[tilespmem:$0x3860] =	vst v63  }
0xbb: {  	_ =	swait.ge [sflag:s12], $0x1900  }
0xbc: {  	[sflag:s12] =	ssyncset.done $0x0  }
0xbd: {  	s29 =	simm.s32 $0x0;
	[sflag:s12] =	ssyncadd.s32 $0xFFFFE700  }
0xbe: {  	s30 =	simm.s32 $0x10;
	v0 =	vld [tilespmem:s29+$0x1F40]  }
0xbf: {  	v1 =	vld [tilespmem:s30+$0x1F40];
	_ =	sdelay $0x3  }
0xc0: {  	(v2sf) =	vpush v0, $0x0  }
0xc1: {  	(v2sf) =	vpush v1, $0x0;
	_ =	sdelay $0x4  }
0xc2: {  	s31 =	simm.s32 $0x20  }
0xc3: {  	v0 =	vld [tilespmem:s31+$0x1F40];
	_ =	sdelay $0x2  }
0xc4: {  	s16 =	simm.f32 $0.0e+00;
	s17 =	simm.s32 $0xC0  }
.LBB2_19:
0xc5: {  	p1 =	sne.s32 s17, $0xC40  }
.Ltmp8:
0xc6: {  	s18 =	sshra.s32 s17, $0x2;
	s17 =	sadd.s32 $0x40, s17;
	(v2sf) =	vpush v0, $0x0;
	(pc) =	sbr.rel @p1 .LBB2_19-.Ltmp8, $3  }
0xc7: {  	v0 =	vld [tilespmem:s18+$0x1F40];
	_ =	sdelay $0x1  }
0xc8: {  	s18 =	spop (v2sf)  }
0xc9: {  	s16 =	sadd.f32 s18, s16  }
0xca: {  	_ = 	snop  }
0xcb: {  	(v2sf) =	vpush v0, $0x0;
	_ =	sdelay $0x3  }
0xcc: {  	s18 =	simm.s32 $0x0  }
0xcd: {  	s29 =	simm.s32 $0x10;
	v0 =	vld [tilespmem:s18+$0x2260]  }
0xce: {  	v1 =	vld [tilespmem:s29+$0x2260];
	_ =	sdelay $0x3  }
0xcf: {  	s17 =	spop (v2sf);
	(v2sf) =	vpush v0, $0x0  }
0xd0: {  	s28 =	spop (v2sf);
	(v2sf) =	vpush v1, $0x0  }
0xd1: {  	s16 =	sadd.f32 s17, s16;
	_ =	sdelay $0x1  }
0xd2: {  	s16 =	sadd.f32 s28, s16  }
0xd3: {  	s30 =	spop (v2sf)  }
0xd4: {  	s31 =	simm.s32 $0x20;
	s16 =	sadd.f32 s30, s16  }
0xd5: {  	v0 =	vld [tilespmem:s31+$0x2260]  }
0xd6: {  	s15 =	sshll.u32 s15, $0x3;
	s16 =	smul.f32 $1.999999960e-02, s16  }
0xd7: {  	s15 =	sand.u32 $0x3FFFFFF8, s15  }
0xd8: {  	s17 =	simm.s32 $0xC0;
	[smem:s15] =	sst s16;
	s16 =	simm.f32 $0.0e+00  }
.LBB2_21:
0xd9: {  	p1 =	sne.s32 s17, $0xC40  }
.Ltmp9:
0xda: {  	s18 =	sshra.s32 s17, $0x2;
	s17 =	sadd.s32 $0x40, s17;
	(v2sf) =	vpush v0, $0x0;
	(pc) =	sbr.rel @p1 .LBB2_21-.Ltmp9, $3  }
0xdb: {  	v0 =	vld [tilespmem:s18+$0x2260];
	_ =	sdelay $0x1  }
0xdc: {  	s18 =	spop (v2sf)  }
0xdd: {  	s16 =	sadd.f32 s18, s16  }
0xde: {  	_ = 	snop  }
0xdf: {  	(v2sf) =	vpush v0, $0x0;
	_ =	sdelay $0x3  }
0xe0: {  	s18 =	simm.s32 $0x0  }
0xe1: {  	s28 =	simm.s32 $0x10;
	v0 =	vld [tilespmem:s18+$0x2580]  }
0xe2: {  	v1 =	vld [tilespmem:s28+$0x2580];
	_ =	sdelay $0x3  }
0xe3: {  	s17 =	spop (v2sf);
	(v2sf) =	vpush v0, $0x0  }
0xe4: {  	s26 =	spop (v2sf);
	(v2sf) =	vpush v1, $0x0  }
0xe5: {  	s16 =	sadd.f32 s17, s16;
	_ =	sdelay $0x1  }
0xe6: {  	s16 =	sadd.f32 s26, s16  }
0xe7: {  	s29 =	spop (v2sf)  }
0xe8: {  	s31 =	simm.s32 $0x20;
	s16 =	sadd.f32 s29, s16  }
0xe9: {  	v0 =	vld [tilespmem:s31+$0x2580]  }
0xea: {  	s16 =	smul.f32 $1.999999960e-02, s16  }
0xeb: {  	s30 =	sadd.s32 $0x1, s15  }
0xec: {  	s17 =	simm.s32 $0xC0;
	[smem:s30] =	sst s16;
	s16 =	simm.f32 $0.0e+00  }
.LBB2_23:
0xed: {  	p1 =	sne.s32 s17, $0xC40  }
.Ltmp10:
0xee: {  	s18 =	sshra.s32 s17, $0x2;
	s17 =	sadd.s32 $0x40, s17;
	(v2sf) =	vpush v0, $0x0;
	(pc) =	sbr.rel @p1 .LBB2_23-.Ltmp10, $3  }
0xef: {  	v0 =	vld [tilespmem:s18+$0x2580];
	_ =	sdelay $0x1  }
0xf0: {  	s18 =	spop (v2sf)  }
0xf1: {  	s16 =	sadd.f32 s18, s16  }
0xf2: {  	_ = 	snop  }
0xf3: {  	(v2sf) =	vpush v0, $0x0;
	_ =	sdelay $0x3  }
0xf4: {  	s18 =	simm.s32 $0x0  }
0xf5: {  	s28 =	simm.s32 $0x10;
	v0 =	vld [tilespmem:s18+$0x28A0]  }
0xf6: {  	v1 =	vld [tilespmem:s28+$0x28A0];
	_ =	sdelay $0x3  }
0xf7: {  	s17 =	spop (v2sf);
	(v2sf) =	vpush v0, $0x0  }
0xf8: {  	s26 =	spop (v2sf);
	(v2sf) =	vpush v1, $0x0  }
0xf9: {  	s16 =	sadd.f32 s17, s16;
	_ =	sdelay $0x1  }
0xfa: {  	s16 =	sadd.f32 s26, s16  }
0xfb: {  	s29 =	spop (v2sf)  }
0xfc: {  	s31 =	simm.s32 $0x20;
	s16 =	sadd.f32 s29, s16  }
0xfd: {  	v0 =	vld [tilespmem:s31+$0x28A0]  }
0xfe: {  	s16 =	smul.f32 $1.999999960e-02, s16  }
0xff: {  	s30 =	sadd.s32 $0x2, s15  }
0x100: {  	s17 =	simm.s32 $0xC0;
	[smem:s30] =	sst s16;
	s16 =	simm.f32 $0.0e+00  }
.LBB2_25:
0x101: {  	p1 =	sne.s32 s17, $0xC40  }
.Ltmp11:
0x102: {  	s18 =	sshra.s32 s17, $0x2;
	s17 =	sadd.s32 $0x40, s17;
	(v2sf) =	vpush v0, $0x0;
	(pc) =	sbr.rel @p1 .LBB2_25-.Ltmp11, $3  }
0x103: {  	v0 =	vld [tilespmem:s18+$0x28A0];
	_ =	sdelay $0x1  }
0x104: {  	s18 =	spop (v2sf)  }
0x105: {  	s16 =	sadd.f32 s18, s16  }
0x106: {  	_ = 	snop  }
0x107: {  	(v2sf) =	vpush v0, $0x0;
	_ =	sdelay $0x3  }
0x108: {  	s18 =	simm.s32 $0x0  }
0x109: {  	s28 =	simm.s32 $0x10;
	v0 =	vld [tilespmem:s18+$0x2BC0]  }
0x10a: {  	v1 =	vld [tilespmem:s28+$0x2BC0];
	_ =	sdelay $0x3  }
0x10b: {  	s17 =	spop (v2sf);
	(v2sf) =	vpush v0, $0x0  }
0x10c: {  	s26 =	spop (v2sf);
	(v2sf) =	vpush v1, $0x0  }
0x10d: {  	s16 =	sadd.f32 s17, s16;
	_ =	sdelay $0x1  }
0x10e: {  	s16 =	sadd.f32 s26, s16  }
0x10f: {  	s29 =	spop (v2sf)  }
0x110: {  	s31 =	simm.s32 $0x20;
	s16 =	sadd.f32 s29, s16  }
0x111: {  	v0 =	vld [tilespmem:s31+$0x2BC0]  }
0x112: {  	s16 =	smul.f32 $1.999999960e-02, s16  }
0x113: {  	s30 =	sadd.s32 $0x3, s15  }
0x114: {  	s17 =	simm.s32 $0xC0;
	[smem:s30] =	sst s16;
	s16 =	simm.f32 $0.0e+00  }
.LBB2_27:
0x115: {  	p1 =	sne.s32 s17, $0xC40  }
.Ltmp12:
0x116: {  	s18 =	sshra.s32 s17, $0x2;
	s17 =	sadd.s32 $0x40, s17;
	(v2sf) =	vpush v0, $0x0;
	(pc) =	sbr.rel @p1 .LBB2_27-.Ltmp12, $3  }
0x117: {  	v0 =	vld [tilespmem:s18+$0x2BC0];
	_ =	sdelay $0x1  }
0x118: {  	s18 =	spop (v2sf)  }
0x119: {  	s16 =	sadd.f32 s18, s16  }
0x11a: {  	_ = 	snop  }
0x11b: {  	(v2sf) =	vpush v0, $0x0;
	_ =	sdelay $0x3  }
0x11c: {  	s18 =	simm.s32 $0x0  }
0x11d: {  	s28 =	simm.s32 $0x10;
	v0 =	vld [tilespmem:s18+$0x2EE0]  }
0x11e: {  	v1 =	vld [tilespmem:s28+$0x2EE0];
	_ =	sdelay $0x3  }
0x11f: {  	s17 =	spop (v2sf);
	(v2sf) =	vpush v0, $0x0  }
0x120: {  	s26 =	spop (v2sf);
	(v2sf) =	vpush v1, $0x0  }
0x121: {  	s16 =	sadd.f32 s17, s16;
	_ =	sdelay $0x1  }
0x122: {  	s16 =	sadd.f32 s26, s16  }
0x123: {  	s29 =	spop (v2sf)  }
0x124: {  	s31 =	simm.s32 $0x20;
	s16 =	sadd.f32 s29, s16  }
0x125: {  	v0 =	vld [tilespmem:s31+$0x2EE0]  }
0x126: {  	s16 =	smul.f32 $1.999999960e-02, s16  }
0x127: {  	s30 =	sadd.s32 $0x4, s15  }
0x128: {  	s17 =	simm.s32 $0xC0;
	[smem:s30] =	sst s16;
	s16 =	simm.f32 $0.0e+00  }
.LBB2_29:
0x129: {  	p1 =	sne.s32 s17, $0xC40  }
.Ltmp13:
0x12a: {  	s18 =	sshra.s32 s17, $0x2;
	s17 =	sadd.s32 $0x40, s17;
	(v2sf) =	vpush v0, $0x0;
	(pc) =	sbr.rel @p1 .LBB2_29-.Ltmp13, $3  }
0x12b: {  	v0 =	vld [tilespmem:s18+$0x2EE0];
	_ =	sdelay $0x1  }
0x12c: {  	s18 =	spop (v2sf)  }
0x12d: {  	s16 =	sadd.f32 s18, s16  }
0x12e: {  	_ = 	snop  }
0x12f: {  	(v2sf) =	vpush v0, $0x0;
	_ =	sdelay $0x3  }
0x130: {  	s18 =	simm.s32 $0x0  }
0x131: {  	s28 =	simm.s32 $0x10;
	v0 =	vld [tilespmem:s18+$0x3200]  }
0x132: {  	v1 =	vld [tilespmem:s28+$0x3200];
	_ =	sdelay $0x3  }
0x133: {  	s17 =	spop (v2sf);
	(v2sf) =	vpush v0, $0x0  }
0x134: {  	s26 =	spop (v2sf);
	(v2sf) =	vpush v1, $0x0  }
0x135: {  	s16 =	sadd.f32 s17, s16;
	_ =	sdelay $0x1  }
0x136: {  	s16 =	sadd.f32 s26, s16  }
0x137: {  	s29 =	spop (v2sf)  }
0x138: {  	s31 =	simm.s32 $0x20;
	s16 =	sadd.f32 s29, s16  }
0x139: {  	v0 =	vld [tilespmem:s31+$0x3200]  }
0x13a: {  	s16 =	smul.f32 $1.999999960e-02, s16  }
0x13b: {  	s30 =	sadd.s32 $0x5, s15  }
0x13c: {  	s17 =	simm.s32 $0xC0;
	[smem:s30] =	sst s16;
	s16 =	simm.f32 $0.0e+00  }
.LBB2_31:
0x13d: {  	p1 =	sne.s32 s17, $0xC40  }
.Ltmp14:
0x13e: {  	s18 =	sshra.s32 s17, $0x2;
	s17 =	sadd.s32 $0x40, s17;
	(v2sf) =	vpush v0, $0x0;
	(pc) =	sbr.rel @p1 .LBB2_31-.Ltmp14, $3  }
0x13f: {  	v0 =	vld [tilespmem:s18+$0x3200];
	_ =	sdelay $0x1  }
0x140: {  	s18 =	spop (v2sf)  }
0x141: {  	s16 =	sadd.f32 s18, s16  }
0x142: {  	_ = 	snop  }
0x143: {  	(v2sf) =	vpush v0, $0x0;
	_ =	sdelay $0x3  }
0x144: {  	s18 =	simm.s32 $0x0  }
0x145: {  	s28 =	simm.s32 $0x10;
	v0 =	vld [tilespmem:s18+$0x3520]  }
0x146: {  	v1 =	vld [tilespmem:s28+$0x3520];
	_ =	sdelay $0x3  }
0x147: {  	s17 =	spop (v2sf);
	(v2sf) =	vpush v0, $0x0  }
0x148: {  	s26 =	spop (v2sf);
	(v2sf) =	vpush v1, $0x0  }
0x149: {  	s16 =	sadd.f32 s17, s16;
	_ =	sdelay $0x1  }
0x14a: {  	s16 =	sadd.f32 s26, s16  }
0x14b: {  	s29 =	spop (v2sf)  }
0x14c: {  	s31 =	simm.s32 $0x20;
	s16 =	sadd.f32 s29, s16  }
0x14d: {  	v0 =	vld [tilespmem:s31+$0x3520]  }
0x14e: {  	s16 =	smul.f32 $1.999999960e-02, s16  }
0x14f: {  	s30 =	sadd.s32 $0x6, s15  }
0x150: {  	s17 =	simm.s32 $0xC0;
	[smem:s30] =	sst s16;
	s16 =	simm.f32 $0.0e+00  }
.LBB2_33:
0x151: {  	p1 =	sne.s32 s17, $0xC40  }
.Ltmp15:
0x152: {  	s18 =	sshra.s32 s17, $0x2;
	s17 =	sadd.s32 $0x40, s17;
	(v2sf) =	vpush v0, $0x0;
	(pc) =	sbr.rel @p1 .LBB2_33-.Ltmp15, $3  }
0x153: {  	v0 =	vld [tilespmem:s18+$0x3520];
	_ =	sdelay $0x1  }
0x154: {  	s18 =	spop (v2sf)  }
0x155: {  	s16 =	sadd.f32 s18, s16  }
0x156: {  	_ = 	snop  }
0x157: {  	(v2sf) =	vpush v0, $0x0;
	_ =	sdelay $0xa  }
0x158: {  	s17 =	spop (v2sf)  }
0x159: {  	s16 =	sadd.f32 s17, s16  }
0x15a: {  	s30 =	spop (v2sf)  }
0x15b: {  	s16 =	sadd.f32 s30, s16  }
0x15c: {  	s31 =	spop (v2sf)  }
.Ltmp16:
0x15d: {  	s16 =	sadd.f32 s31, s16;
	(pc) =	sbr.rel @p0 .LBB2_2-.Ltmp16, $4  }
0x15e: {  	_ = 	snop  }
0x15f: {  	s16 =	smul.f32 $1.999999960e-02, s16  }
0x160: {  	s15 =	sadd.s32 $0x7, s15  }
0x161: {  	p1 =	por $0x0, $0x0;
	[smem:s15] =	sst s16;
	s16 =	simm.s32 $0x1  }
0x162: {  	s15 =	sld [smem:$0x0]  }
0x163: {  	s16 =	sld [smem:$0x1]  }
0x164: {  	s17 =	sld [smem:$0x2]  }
0x165: {  	s18 =	sld [smem:$0x3]  }
0x166: {  	s19 =	sld [smem:$0x4]  }
0x167: {  	s20 =	sld [smem:$0x5]  }
0x168: {  	s21 =	sld [smem:$0x6]  }
0x169: {  	s22 =	sld [smem:$0x7]  }
0x16a: {  	s23 =	sld [smem:$0x8]  }
0x16b: {  	s24 =	sld [smem:$0x9]  }
0x16c: {  	s25 =	sld [smem:$0xA]  }
0x16d: {  	s26 =	sld [smem:$0xB]  }
0x16e: {  	s28 =	sld [smem:$0xC]  }
0x16f: {  	s29 =	sld [smem:$0xD]  }
0x170: {  	s30 =	sld [smem:$0xE]  }
0x171: {  	s31 =	sld [smem:$0xF]  }
0x172: {  	s0 =	sld [smem:$0x1F]  }
0x173: {  	s1 =	sld [smem:$0x10]  }
0x174: {  	v0 =	vmov s31;
	s31 =	sld [smem:$0x11]  }
0x175: {  	v1 =	vmov s0;
	v0 =	vsel vm0, s15, v0;
	s15 =	sld [smem:$0x12]  }
0x176: {  	v1 =	vsel vm0, s1, v1;
	v0 =	vsel vm1, s16, v0;
	s16 =	sld [smem:$0x13]  }
0x177: {  	v0 =	vsel vm2, s17, v0;
	s17 =	sld [smem:$0x14];
	v1 =	vsel vm1, s31, v1  }
0x178: {  	v0 =	vsel vm3, s18, v0;
	s18 =	sld [smem:$0x15];
	v1 =	vsel vm2, s15, v1  }
0x179: {  	v0 =	vsel vm4, s19, v0;
	s19 =	sld [smem:$0x16];
	v1 =	vsel vm3, s16, v1  }
0x17a: {  	v0 =	vsel vm5, s20, v0;
	s20 =	sld [smem:$0x17];
	v1 =	vsel vm4, s17, v1  }
0x17b: {  	v0 =	vsel vm6, s21, v0;
	s21 =	sld [smem:$0x18];
	v1 =	vsel vm5, s18, v1  }
0x17c: {  	v0 =	vsel vm7, s22, v0;
	s22 =	sld [smem:$0x19];
	v1 =	vsel vm6, s19, v1  }
0x17d: {  	v0 =	vsel vm8, s23, v0;
	s23 =	sld [smem:$0x1A];
	v1 =	vsel vm7, s20, v1  }
0x17e: {  	v0 =	vsel vm9, s24, v0;
	s24 =	sld [smem:$0x1B];
	v1 =	vsel vm8, s21, v1  }
0x17f: {  	v0 =	vsel vm10, s25, v0;
	s25 =	sld [smem:$0x1C];
	v1 =	vsel vm9, s22, v1  }
0x180: {  	v0 =	vsel vm11, s26, v0;
	s26 =	sld [smem:$0x1D];
	v1 =	vsel vm10, s23, v1  }
0x181: {  	s31 =	sld [smem:$0x1E];
	v0 =	vsel vm12, s28, v0;
	v1 =	vsel vm11, s24, v1  }
0x182: {  	v0 =	vsel vm13, s29, v0;
	v1 =	vsel vm12, s25, v1  }
0x183: {  	s14 =	sadd.s32 $0x1, s14;
	v0 =	vsel vm14, s30, v0;
	v1 =	vsel vm13, s26, v1  }
0x184: {  	p0 =	sne.s32 s14, s6;
	[tilespmem:$0x3840] =	vst v0;
	v63 =	vsel vm14, s31, v1  }
.Ltmp17:
0x185: {  	[tilespmem:$0x3850] =	vst v63;
	(pc) =	sbr.rel @p0 .LBB2_1-.Ltmp17, $4  }
0x186: {  	[hbm4b:s5+s2] =	stream.linear.scatter [tilespmem:s13], [sflag:$0x3], $0x20, $0x38;
	[tilespmem:$0x3860] =	vst v63  }
0x187: {  	_ =	swait.ge [sflag:s7], $0x20  }
0x188: {  	[sflag:s7] =	ssyncset.done $0x0  }
0x189: {  	[sflag:s7] =	ssyncadd.s32 $0xFFFFFFE0  }
0x18a: {  	_ =	sfence.sel $0x180000  }
0x18b: {  	[bflag:$0x0] =	sbarrier.arrive $0xFFFF  }
0x18c: {  	_ =	strace $0x90000047  }
0x18d: {  	s0 =	stileid.u32;
	[bflag:$0x2] =	sbarrier.arrive $0xFFFF  }
0x18e: {  	p0 =	sne.s32 s0, $0x0;
	s0 =	rddreg [dreg:$0x2]  }
0x18f: {  	s0 =	sadd.s32 @!p0 $0x100000, s0  }
0x190: {  	[sflag:s0] =	ssyncadd.tile.s32 @!p0 $0x1;
	_ =	shalt  }
.Lfunc_end2:
_tile_overlayer_lowered:
.L_overlay_start_2:
0x191: {  	(tag) =	ssettag $0x2  }
0x192: {  	s0 =	rddreg [dreg:$0x0];
	s2 =	stileid.u32  }
0x193: {  	s1 =	rddreg [dreg:$0x1];
	p0 =	sne.s32 s2, $0x0  }
0x194: {  	s3 =	rddreg [dreg:$0x2];
	[bflag:$0x3] =	sbarrier.arrive $0xFFFF;
	s2 =	simm.s32 @!p0 $0x1C03  }
0x195: {  	[timem:s3], [sflag:s2] =	dma.local @!p0 [hbm:s0], s1  }
0x196: {  	s0 =	simm.s32 @!p0 $0x3  }
0x197: {  	_ =	swait.ge @!p0 [sflag:s0], s1  }
0x198: {  	s1 =	ssub.s32 @!p0 $0x0, s1;
	[sflag:s0] =	ssyncset.done @!p0 $0x0  }
0x199: {  	[sflag:s0] =	ssyncadd.s32 @!p0 s1  }
0x19a: {  	[bflag:$0x3] =	sbarrier.arrive $0xFFFF  }
0x19b: {  	_ =	shalt  }

</sc_bundles>
